<compile_context>
chip_gen: v7x
topology: tpu7x:2x2x1
jax: 0.10.2.dev20260603
libtpu: 0.0.44.dev20260713+nightly
codegen_flags: <defaults>
</compile_context>

<pallas_src>
import functools

import jax
import jax.numpy as jnp
from jax import lax
from jax.experimental import pallas as pl
from jax.experimental.pallas import tpu as pltpu
from jax.experimental.pallas import tpu_sc as plsc

B, H, E, O = 16384, 50, 32, 64
N = B * H
NC, NS = 2, 16
NW = NC * NS
GCHUNK = 128
FOLD = 128 // E
OF = O * FOLD
NSPLIT = 1
NH = N // NSPLIT


def _sc_gather(idx2d, table, n_rows):
    per_w = n_rows // NW
    chunk = 1024
    ng = chunk // GCHUNK
    nchunks = per_w // chunk
    cf = chunk // FOLD
    mesh = plsc.VectorSubcoreMesh(core_axis_name="c", subcore_axis_name="s")

    @functools.partial(
        pl.kernel,
        mesh=mesh,
        out_type=jax.ShapeDtypeStruct((n_rows // FOLD, 128), jnp.float32),
        scratch_types=[
            pltpu.VMEM((ng, GCHUNK), jnp.int32),
            pltpu.VMEM((chunk, E), jnp.float32),
            pltpu.VMEM((cf, 128), jnp.float32),
            pltpu.SemaphoreType.DMA,
        ],
        compiler_params=pltpu.CompilerParams(use_tc_tiling_on_sc=False),
    )
    def k(idx_hbm, table_hbm, out_hbm, idx_v, rows_v, rows_f, sem):
        wid = lax.axis_index("s") * NC + lax.axis_index("c")
        base = wid * per_w

        def body(i, carry):
            off = base + i * chunk
            pltpu.sync_copy(
                idx_hbm.at[pl.ds(pl.multiple_of(off // GCHUNK, 2), ng)], idx_v
            )
            copies = [
                pltpu.async_copy(
                    table_hbm.at[idx_v.at[j]],
                    rows_v.at[pl.ds(j * GCHUNK, GCHUNK)],
                    sem,
                )
                for j in range(ng)
            ]
            for cp in copies:
                cp.wait()

            def fold_body(r, c2):
                for u in range(8):
                    v = rows_v[FOLD * r + u // 2, pl.ds(16 * (u % 2), 16)]
                    rows_f[r, pl.ds(16 * u, 16)] = v
                return c2

            lax.fori_loop(0, cf, fold_body, 0)

            pltpu.sync_copy(
                rows_f,
                out_hbm.at[pl.ds(pl.multiple_of(off // FOLD, 8), cf)],
            )
            return carry

        lax.fori_loop(0, nchunks, body, 0)

    return k(idx2d, table)


def _tc_linear_relu(xf, wd, bf, n_fold):
    blk = 2048
    nblk = n_fold // blk

    def body(x_hbm, w_ref, b_ref, o_ref, xv, sem):
        i = pl.program_id(0)

        @pl.when(i == 0)
        def _():
            pltpu.make_async_copy(x_hbm.at[pl.ds(0, blk)], xv.at[0], sem).start()

        @pl.when(i + 1 < nblk)
        def _():
            pltpu.make_async_copy(
                x_hbm.at[pl.ds((i + 1) * blk, blk)], xv.at[(i + 1) % 2], sem
            ).start()

        pltpu.make_async_copy(x_hbm.at[pl.ds(i * blk, blk)], xv.at[i % 2], sem).wait()
        acc = jnp.dot(xv[i % 2], w_ref[...], preferred_element_type=jnp.float32)
        o_ref[...] = jnp.maximum(acc + b_ref[...], 0.0)

    return pl.pallas_call(
        body,
        grid=(nblk,),
        in_specs=[
            pl.BlockSpec(memory_space=pltpu.MemorySpace.HBM),
            pl.BlockSpec((128, OF), lambda i: (0, 0)),
            pl.BlockSpec((1, OF), lambda i: (0, 0)),
        ],
        out_specs=pl.BlockSpec((blk, OF), lambda i: (i, 0)),
        out_shape=jax.ShapeDtypeStruct((n_fold, OF), jnp.float32),
        scratch_shapes=[
            pltpu.VMEM((2, blk, 128), jnp.float32),
            pltpu.SemaphoreType.DMA,
        ],
    )(xf, wd, bf)


def kernel(category, table, W, b):
    idx2d = category.astype(jnp.int32).reshape(N // GCHUNK, GCHUNK)
    wd = jnp.kron(jnp.eye(FOLD, dtype=jnp.float32), W.T)
    bf = jnp.tile(b, FOLD).reshape(1, OF)
    rows_per = NH // GCHUNK
    outs = []
    for s in range(NSPLIT):
        xf = _sc_gather(idx2d[s * rows_per:(s + 1) * rows_per], table, NH)
        outs.append(_tc_linear_relu(xf, wd, bf, NH // FOLD))
    out = jnp.concatenate(outs, axis=0)
    return out.reshape(B, H, O)

# --- scband reference (transcript-rebuilt; emitter-appended) ---
"""Pipeline reference for scband-caumcategory-encoder-31447750541537 (READ-ONLY COPY).

The authoritative reference and input builder live on the scoring server;
editing this copy changes nothing except your own understanding.
"""

import jax, jax.numpy as jnp
import numpy as np

NUM_CATEGORIES = 1000000
EMB_DIM = 32
OUT_DIM = 64
BATCH = 16384
HIST = 50


def setup_inputs(seed: int = 0) -> dict:
    key = jax.random.key(seed)
    k1, k2, k3, k4 = jax.random.split(key, 4)
    table = jax.random.normal(k1, (NUM_CATEGORIES, EMB_DIM), dtype=jnp.float32) * 0.02
    # padding_idx=0 -> row 0 is zeros
    table = table.at[0].set(0.0)
    W = jax.random.normal(k2, (OUT_DIM, EMB_DIM), dtype=jnp.float32) * 0.05
    b = jax.random.normal(k3, (OUT_DIM,), dtype=jnp.float32) * 0.01
    category = jax.random.randint(k4, (BATCH, HIST), 0, NUM_CATEGORIES, dtype=jnp.int64)
    return {"category": category, "table": table, "W": W, "b": b}


def reference(category, table, W, b):
    # nn.Embedding lookup (padding_idx row is zeros in the table)
    category_vector = jnp.take(table, category, axis=0)
    # dropout is identity at inference time
    # nn.Linear: x @ W^T + b, then ReLU
    category_vector = category_vector @ W.T + b
    return jax.nn.relu(category_vector)

if __name__ == "__main__":
    import jax
    _d = setup_inputs()
    print(jax.jit(kernel)(*tuple(_d.values())))

</pallas_src>

<mosaic_0001>
#map = affine_map<(d0, d1) -> (0, 0)>
module attributes {stable_mosaic.version = 14 : i64} {
  func.func @k(%arg0: i32, %arg1: i32, %arg2: memref<6400x128xi32, #tpu.memory_space<hbm>>, %arg3: memref<1000000x32xf32, #tpu.memory_space<hbm>>, %arg4: memref<204800x128xf32, #tpu.memory_space<hbm>>, %arg5: memref<8x128xi32, #tpu.memory_space<vmem>>, %arg6: memref<1024x32xf32, #tpu.memory_space<vmem>>, %arg7: memref<256x128xf32, #tpu.memory_space<vmem>>, %arg8: memref<!tpu.dma_semaphore, #tpu.memory_space<semaphore_mem>>) attributes {dimension_semantics = [#tpu.dimension_semantics<core_parallel>, #tpu.dimension_semantics<subcore_parallel>], iteration_bounds = array<i64: 2, 16>, scalar_prefetch = 0 : i64, scratch_operands = 4 : i64, tpu.core_type = #tpu.core_type<sc_vector_subcore>, window_params = [{transform_indices = #map}, {transform_indices = #map}, {transform_indices = #map}]} {
    %mul3A = arith.constant 2 : i32
    %mul3A_0 = arith.muli %arg1, %mul3A : i32
    %add3A = arith.addi %mul3A_0, %arg0 : i32
    %mul3A_1 = arith.constant 25600 : i32
    %mul3A_2 = arith.muli %add3A, %mul3A_1 : i32
    %scan3A = arith.constant 0 : i32
    %scan3A_3 = arith.constant 0 : i32
    %scan3A_4 = arith.constant 25 : i32
    %scan3A_5 = arith.addi %scan3A_3, %scan3A_4 : i32
    %scan3A_6 = arith.constant 1 : i32
    scf.for %scan3A_8 = %scan3A_3 to %scan3A_5 step %scan3A_6  : i32 {
      %mul3A_9 = arith.constant 1024 : i32
      %mul3A_10 = arith.muli %scan3A_8, %mul3A_9 : i32
      %add3A_11 = arith.addi %mul3A_2, %mul3A_10 : i32
      %jit3A = arith.constant 128 : i32
      %div3A = arith.divsi %add3A_11, %jit3A : i32
      %sign3A = arith.constant 0 : i32
      %sign3A_12 = arith.cmpi sgt, %add3A_11, %sign3A : i32
      %sign3A_13 = arith.extui %sign3A_12 : i1 to i32
      %sign3A_14 = arith.constant 0 : i32
      %sign3A_15 = arith.cmpi slt, %add3A_11, %sign3A_14 : i32
      %sign3A_16 = arith.extui %sign3A_15 : i1 to i32
      %sign3A_17 = arith.subi %sign3A_13, %sign3A_16 : i32
      %sign3A_18 = arith.constant 0 : i32
      %sign3A_19 = arith.cmpi sgt, %jit3A, %sign3A_18 : i32
      %sign3A_20 = arith.extui %sign3A_19 : i1 to i32
      %sign3A_21 = arith.constant 0 : i32
      %sign3A_22 = arith.cmpi slt, %jit3A, %sign3A_21 : i32
      %sign3A_23 = arith.extui %sign3A_22 : i1 to i32
      %sign3A_24 = arith.subi %sign3A_20, %sign3A_23 : i32
      %ne3A = arith.cmpi ne, %sign3A_17, %sign3A_24 : i32
      %rem3A = arith.remsi %add3A_11, %jit3A : i32
      %ne3A_25 = arith.constant 0 : i32
      %ne3A_26 = arith.cmpi ne, %rem3A, %ne3A_25 : i32
      %and3A = arith.andi %ne3A, %ne3A_26 : i1
      %sub3A = arith.constant 1 : i32
      %sub3A_27 = arith.subi %div3A, %sub3A : i32
      %select_n3A = arith.select %and3A, %sub3A_27, %div3A : i32
      %multiple_of3A = tpu.assume_multiple %select_n3A, 2 : i32
      "tpu.region"() ({
        %run_scoped3A = tpu.sem_alloc : memref<!tpu.dma_semaphore, #tpu.memory_space<semaphore_mem>>
        %dma_start3A_217 = arith.constant 0 : i32
        %dma_start3A_218 = tpu.memref_slice %arg2[%multiple_of3A, %dma_start3A_217] : memref<6400x128xi32, #tpu.memory_space<hbm>> -> memref<8x128xi32, #tpu.memory_space<hbm>>
        %dma_start3A_219 = arith.constant 0 : i32
        %dma_start3A_220 = tpu.memref_slice %arg2[%multiple_of3A, %dma_start3A_219] : memref<6400x128xi32, #tpu.memory_space<hbm>> -> memref<8x128xi32, #tpu.memory_space<hbm>>
        tpu.enqueue_dma source(%dma_start3A_220 : memref<8x128xi32, #tpu.memory_space<hbm>>) target(%arg5 : memref<8x128xi32, #tpu.memory_space<vmem>>) target_semaphore(%run_scoped3A : memref<!tpu.dma_semaphore, #tpu.memory_space<semaphore_mem>>)
        %dma_wait3A_221 = arith.constant 0 : i32
        %dma_wait3A_222 = tpu.memref_slice %arg2[%multiple_of3A, %dma_wait3A_221] : memref<6400x128xi32, #tpu.memory_space<hbm>> -> memref<8x128xi32, #tpu.memory_space<hbm>>
        %dma_wait3A_223 = arith.constant 0 : i32
        %dma_wait3A_224 = tpu.memref_slice %arg2[%multiple_of3A, %dma_wait3A_223] : memref<6400x128xi32, #tpu.memory_space<hbm>> -> memref<8x128xi32, #tpu.memory_space<hbm>>
        tpu.wait_dma2 semaphore(%run_scoped3A : memref<!tpu.dma_semaphore, #tpu.memory_space<semaphore_mem>>) src(%dma_wait3A_224 : memref<8x128xi32, #tpu.memory_space<hbm>>) dst(%arg5 : memref<8x128xi32, #tpu.memory_space<vmem>>)
        tpu.yield
      }) : () -> ()
      %dma_start3A = arith.constant 0 : i32
      %dma_start3A_28 = arith.constant 0 : i32
      %dma_start3A_29 = arith.constant 0 : i32
      %dma_start3A_30 = tpu.memref_slice %arg6[%dma_start3A_28, %dma_start3A_29] : memref<1024x32xf32, #tpu.memory_space<vmem>> -> memref<128x32xf32, #tpu.memory_space<vmem>>
      %dma_start3A_31 = arith.constant 0 : i32
      %dma_start3A_32 = tpu.memref_slice %arg5[%dma_start3A, %dma_start3A_31] : memref<8x128xi32, #tpu.memory_space<vmem>> -> memref<1x128xi32, #tpu.memory_space<vmem>>
      %dma_start3A_33 = tpu.memref_squeeze %dma_start3A_32 : memref<1x128xi32, #tpu.memory_space<vmem>> -> memref<128xi32, #tpu.memory_space<vmem>>
      %dma_start3A_34 = arith.constant 0 : i32
      %dma_start3A_35 = arith.constant 0 : i32
      %dma_start3A_36 = tpu.memref_slice %arg3[%dma_start3A_34, %dma_start3A_35] : memref<1000000x32xf32, #tpu.memory_space<hbm>> -> memref<1000000x32xf32, #tpu.memory_space<hbm>>
      tpu.enqueue_indirect_dma source(%dma_start3A_36 : memref<1000000x32xf32, #tpu.memory_space<hbm>>) target(%dma_start3A_30 : memref<128x32xf32, #tpu.memory_space<vmem>>) offsets(%dma_start3A_33 : memref<128xi32, #tpu.memory_space<vmem>>) semaphore(%arg8 : memref<!tpu.dma_semaphore, #tpu.memory_space<semaphore_mem>>)
      %dma_start3A_37 = arith.constant 1 : i32
      %dma_start3A_38 = arith.constant 128 : i32
      %dma_start3A_39 = arith.constant 0 : i32
      %dma_start3A_40 = tpu.memref_slice %arg6[%dma_start3A_38, %dma_start3A_39] : memref<1024x32xf32, #tpu.memory_space<vmem>> -> memref<128x32xf32, #tpu.memory_space<vmem>>
      %dma_start3A_41 = arith.constant 0 : i32
      %dma_start3A_42 = tpu.memref_slice %arg5[%dma_start3A_37, %dma_start3A_41] : memref<8x128xi32, #tpu.memory_space<vmem>> -> memref<1x128xi32, #tpu.memory_space<vmem>>
      %dma_start3A_43 = tpu.memref_squeeze %dma_start3A_42 : memref<1x128xi32, #tpu.memory_space<vmem>> -> memref<128xi32, #tpu.memory_space<vmem>>
      %dma_start3A_44 = arith.constant 0 : i32
      %dma_start3A_45 = arith.constant 0 : i32
      %dma_start3A_46 = tpu.memref_slice %arg3[%dma_start3A_44, %dma_start3A_45] : memref<1000000x32xf32, #tpu.memory_space<hbm>> -> memref<1000000x32xf32, #tpu.memory_space<hbm>>
      tpu.enqueue_indirect_dma source(%dma_start3A_46 : memref<1000000x32xf32, #tpu.memory_space<hbm>>) target(%dma_start3A_40 : memref<128x32xf32, #tpu.memory_space<vmem>>) offsets(%dma_start3A_43 : memref<128xi32, #tpu.memory_space<vmem>>) semaphore(%arg8 : memref<!tpu.dma_semaphore, #tpu.memory_space<semaphore_mem>>)
      %dma_start3A_47 = arith.constant 2 : i32
      %dma_start3A_48 = arith.constant 256 : i32
      %dma_start3A_49 = arith.constant 0 : i32
      %dma_start3A_50 = tpu.memref_slice %arg6[%dma_start3A_48, %dma_start3A_49] : memref<1024x32xf32, #tpu.memory_space<vmem>> -> memref<128x32xf32, #tpu.memory_space<vmem>>
      %dma_start3A_51 = arith.constant 0 : i32
      %dma_start3A_52 = tpu.memref_slice %arg5[%dma_start3A_47, %dma_start3A_51] : memref<8x128xi32, #tpu.memory_space<vmem>> -> memref<1x128xi32, #tpu.memory_space<vmem>>
      %dma_start3A_53 = tpu.memref_squeeze %dma_start3A_52 : memref<1x128xi32, #tpu.memory_space<vmem>> -> memref<128xi32, #tpu.memory_space<vmem>>
      %dma_start3A_54 = arith.constant 0 : i32
      %dma_start3A_55 = arith.constant 0 : i32
      %dma_start3A_56 = tpu.memref_slice %arg3[%dma_start3A_54, %dma_start3A_55] : memref<1000000x32xf32, #tpu.memory_space<hbm>> -> memref<1000000x32xf32, #tpu.memory_space<hbm>>
      tpu.enqueue_indirect_dma source(%dma_start3A_56 : memref<1000000x32xf32, #tpu.memory_space<hbm>>) target(%dma_start3A_50 : memref<128x32xf32, #tpu.memory_space<vmem>>) offsets(%dma_start3A_53 : memref<128xi32, #tpu.memory_space<vmem>>) semaphore(%arg8 : memref<!tpu.dma_semaphore, #tpu.memory_space<semaphore_mem>>)
      %dma_start3A_57 = arith.constant 3 : i32
      %dma_start3A_58 = arith.constant 384 : i32
      %dma_start3A_59 = arith.constant 0 : i32
      %dma_start3A_60 = tpu.memref_slice %arg6[%dma_start3A_58, %dma_start3A_59] : memref<1024x32xf32, #tpu.memory_space<vmem>> -> memref<128x32xf32, #tpu.memory_space<vmem>>
      %dma_start3A_61 = arith.constant 0 : i32
      %dma_start3A_62 = tpu.memref_slice %arg5[%dma_start3A_57, %dma_start3A_61] : memref<8x128xi32, #tpu.memory_space<vmem>> -> memref<1x128xi32, #tpu.memory_space<vmem>>
      %dma_start3A_63 = tpu.memref_squeeze %dma_start3A_62 : memref<1x128xi32, #tpu.memory_space<vmem>> -> memref<128xi32, #tpu.memory_space<vmem>>
      %dma_start3A_64 = arith.constant 0 : i32
      %dma_start3A_65 = arith.constant 0 : i32
      %dma_start3A_66 = tpu.memref_slice %arg3[%dma_start3A_64, %dma_start3A_65] : memref<1000000x32xf32, #tpu.memory_space<hbm>> -> memref<1000000x32xf32, #tpu.memory_space<hbm>>
      tpu.enqueue_indirect_dma source(%dma_start3A_66 : memref<1000000x32xf32, #tpu.memory_space<hbm>>) target(%dma_start3A_60 : memref<128x32xf32, #tpu.memory_space<vmem>>) offsets(%dma_start3A_63 : memref<128xi32, #tpu.memory_space<vmem>>) semaphore(%arg8 : memref<!tpu.dma_semaphore, #tpu.memory_space<semaphore_mem>>)
      %dma_start3A_67 = arith.constant 4 : i32
      %dma_start3A_68 = arith.constant 512 : i32
      %dma_start3A_69 = arith.constant 0 : i32
      %dma_start3A_70 = tpu.memref_slice %arg6[%dma_start3A_68, %dma_start3A_69] : memref<1024x32xf32, #tpu.memory_space<vmem>> -> memref<128x32xf32, #tpu.memory_space<vmem>>
      %dma_start3A_71 = arith.constant 0 : i32
      %dma_start3A_72 = tpu.memref_slice %arg5[%dma_start3A_67, %dma_start3A_71] : memref<8x128xi32, #tpu.memory_space<vmem>> -> memref<1x128xi32, #tpu.memory_space<vmem>>
      %dma_start3A_73 = tpu.memref_squeeze %dma_start3A_72 : memref<1x128xi32, #tpu.memory_space<vmem>> -> memref<128xi32, #tpu.memory_space<vmem>>
      %dma_start3A_74 = arith.constant 0 : i32
      %dma_start3A_75 = arith.constant 0 : i32
      %dma_start3A_76 = tpu.memref_slice %arg3[%dma_start3A_74, %dma_start3A_75] : memref<1000000x32xf32, #tpu.memory_space<hbm>> -> memref<1000000x32xf32, #tpu.memory_space<hbm>>
      tpu.enqueue_indirect_dma source(%dma_start3A_76 : memref<1000000x32xf32, #tpu.memory_space<hbm>>) target(%dma_start3A_70 : memref<128x32xf32, #tpu.memory_space<vmem>>) offsets(%dma_start3A_73 : memref<128xi32, #tpu.memory_space<vmem>>) semaphore(%arg8 : memref<!tpu.dma_semaphore, #tpu.memory_space<semaphore_mem>>)
      %dma_start3A_77 = arith.constant 5 : i32
      %dma_start3A_78 = arith.constant 640 : i32
      %dma_start3A_79 = arith.constant 0 : i32
      %dma_start3A_80 = tpu.memref_slice %arg6[%dma_start3A_78, %dma_start3A_79] : memref<1024x32xf32, #tpu.memory_space<vmem>> -> memref<128x32xf32, #tpu.memory_space<vmem>>
      %dma_start3A_81 = arith.constant 0 : i32
      %dma_start3A_82 = tpu.memref_slice %arg5[%dma_start3A_77, %dma_start3A_81] : memref<8x128xi32, #tpu.memory_space<vmem>> -> memref<1x128xi32, #tpu.memory_space<vmem>>
      %dma_start3A_83 = tpu.memref_squeeze %dma_start3A_82 : memref<1x128xi32, #tpu.memory_space<vmem>> -> memref<128xi32, #tpu.memory_space<vmem>>
      %dma_start3A_84 = arith.constant 0 : i32
      %dma_start3A_85 = arith.constant 0 : i32
      %dma_start3A_86 = tpu.memref_slice %arg3[%dma_start3A_84, %dma_start3A_85] : memref<1000000x32xf32, #tpu.memory_space<hbm>> -> memref<1000000x32xf32, #tpu.memory_space<hbm>>
      tpu.enqueue_indirect_dma source(%dma_start3A_86 : memref<1000000x32xf32, #tpu.memory_space<hbm>>) target(%dma_start3A_80 : memref<128x32xf32, #tpu.memory_space<vmem>>) offsets(%dma_start3A_83 : memref<128xi32, #tpu.memory_space<vmem>>) semaphore(%arg8 : memref<!tpu.dma_semaphore, #tpu.memory_space<semaphore_mem>>)
      %dma_start3A_87 = arith.constant 6 : i32
      %dma_start3A_88 = arith.constant 768 : i32
      %dma_start3A_89 = arith.constant 0 : i32
      %dma_start3A_90 = tpu.memref_slice %arg6[%dma_start3A_88, %dma_start3A_89] : memref<1024x32xf32, #tpu.memory_space<vmem>> -> memref<128x32xf32, #tpu.memory_space<vmem>>
      %dma_start3A_91 = arith.constant 0 : i32
      %dma_start3A_92 = tpu.memref_slice %arg5[%dma_start3A_87, %dma_start3A_91] : memref<8x128xi32, #tpu.memory_space<vmem>> -> memref<1x128xi32, #tpu.memory_space<vmem>>
      %dma_start3A_93 = tpu.memref_squeeze %dma_start3A_92 : memref<1x128xi32, #tpu.memory_space<vmem>> -> memref<128xi32, #tpu.memory_space<vmem>>
      %dma_start3A_94 = arith.constant 0 : i32
      %dma_start3A_95 = arith.constant 0 : i32
      %dma_start3A_96 = tpu.memref_slice %arg3[%dma_start3A_94, %dma_start3A_95] : memref<1000000x32xf32, #tpu.memory_space<hbm>> -> memref<1000000x32xf32, #tpu.memory_space<hbm>>
      tpu.enqueue_indirect_dma source(%dma_start3A_96 : memref<1000000x32xf32, #tpu.memory_space<hbm>>) target(%dma_start3A_90 : memref<128x32xf32, #tpu.memory_space<vmem>>) offsets(%dma_start3A_93 : memref<128xi32, #tpu.memory_space<vmem>>) semaphore(%arg8 : memref<!tpu.dma_semaphore, #tpu.memory_space<semaphore_mem>>)
      %dma_start3A_97 = arith.constant 7 : i32
      %dma_start3A_98 = arith.constant 896 : i32
      %dma_start3A_99 = arith.constant 0 : i32
      %dma_start3A_100 = tpu.memref_slice %arg6[%dma_start3A_98, %dma_start3A_99] : memref<1024x32xf32, #tpu.memory_space<vmem>> -> memref<128x32xf32, #tpu.memory_space<vmem>>
      %dma_start3A_101 = arith.constant 0 : i32
      %dma_start3A_102 = tpu.memref_slice %arg5[%dma_start3A_97, %dma_start3A_101] : memref<8x128xi32, #tpu.memory_space<vmem>> -> memref<1x128xi32, #tpu.memory_space<vmem>>
      %dma_start3A_103 = tpu.memref_squeeze %dma_start3A_102 : memref<1x128xi32, #tpu.memory_space<vmem>> -> memref<128xi32, #tpu.memory_space<vmem>>
      %dma_start3A_104 = arith.constant 0 : i32
      %dma_start3A_105 = arith.constant 0 : i32
      %dma_start3A_106 = tpu.memref_slice %arg3[%dma_start3A_104, %dma_start3A_105] : memref<1000000x32xf32, #tpu.memory_space<hbm>> -> memref<1000000x32xf32, #tpu.memory_space<hbm>>
      tpu.enqueue_indirect_dma source(%dma_start3A_106 : memref<1000000x32xf32, #tpu.memory_space<hbm>>) target(%dma_start3A_100 : memref<128x32xf32, #tpu.memory_space<vmem>>) offsets(%dma_start3A_103 : memref<128xi32, #tpu.memory_space<vmem>>) semaphore(%arg8 : memref<!tpu.dma_semaphore, #tpu.memory_space<semaphore_mem>>)
      %dma_wait3A = arith.constant 0 : i32
      %dma_wait3A_107 = arith.constant 0 : i32
      %dma_wait3A_108 = arith.constant 0 : i32
      %dma_wait3A_109 = tpu.memref_slice %arg6[%dma_wait3A_107, %dma_wait3A_108] : memref<1024x32xf32, #tpu.memory_space<vmem>> -> memref<128x32xf32, #tpu.memory_space<vmem>>
      %dma_wait3A_110 = arith.constant 0 : i32
      %dma_wait3A_111 = tpu.memref_slice %arg5[%dma_wait3A, %dma_wait3A_110] : memref<8x128xi32, #tpu.memory_space<vmem>> -> memref<1x128xi32, #tpu.memory_space<vmem>>
      %dma_wait3A_112 = tpu.memref_squeeze %dma_wait3A_111 : memref<1x128xi32, #tpu.memory_space<vmem>> -> memref<128xi32, #tpu.memory_space<vmem>>
      %dma_wait3A_113 = arith.constant 0 : i32
      %dma_wait3A_114 = arith.constant 0 : i32
      %dma_wait3A_115 = tpu.memref_slice %arg3[%dma_wait3A_113, %dma_wait3A_114] : memref<1000000x32xf32, #tpu.memory_space<hbm>> -> memref<1000000x32xf32, #tpu.memory_space<hbm>>
      tpu.wait_indirect_dma semaphore(%arg8 : memref<!tpu.dma_semaphore, #tpu.memory_space<semaphore_mem>>) src(%dma_wait3A_115 : memref<1000000x32xf32, #tpu.memory_space<hbm>>) dst(%dma_wait3A_109 : memref<128x32xf32, #tpu.memory_space<vmem>>)
      %dma_wait3A_116 = arith.constant 1 : i32
      %dma_wait3A_117 = arith.constant 128 : i32
      %dma_wait3A_118 = arith.constant 0 : i32
      %dma_wait3A_119 = tpu.memref_slice %arg6[%dma_wait3A_117, %dma_wait3A_118] : memref<1024x32xf32, #tpu.memory_space<vmem>> -> memref<128x32xf32, #tpu.memory_space<vmem>>
      %dma_wait3A_120 = arith.constant 0 : i32
      %dma_wait3A_121 = tpu.memref_slice %arg5[%dma_wait3A_116, %dma_wait3A_120] : memref<8x128xi32, #tpu.memory_space<vmem>> -> memref<1x128xi32, #tpu.memory_space<vmem>>
      %dma_wait3A_122 = tpu.memref_squeeze %dma_wait3A_121 : memref<1x128xi32, #tpu.memory_space<vmem>> -> memref<128xi32, #tpu.memory_space<vmem>>
      %dma_wait3A_123 = arith.constant 0 : i32
      %dma_wait3A_124 = arith.constant 0 : i32
      %dma_wait3A_125 = tpu.memref_slice %arg3[%dma_wait3A_123, %dma_wait3A_124] : memref<1000000x32xf32, #tpu.memory_space<hbm>> -> memref<1000000x32xf32, #tpu.memory_space<hbm>>
      tpu.wait_indirect_dma semaphore(%arg8 : memref<!tpu.dma_semaphore, #tpu.memory_space<semaphore_mem>>) src(%dma_wait3A_125 : memref<1000000x32xf32, #tpu.memory_space<hbm>>) dst(%dma_wait3A_119 : memref<128x32xf32, #tpu.memory_space<vmem>>)
      %dma_wait3A_126 = arith.constant 2 : i32
      %dma_wait3A_127 = arith.constant 256 : i32
      %dma_wait3A_128 = arith.constant 0 : i32
      %dma_wait3A_129 = tpu.memref_slice %arg6[%dma_wait3A_127, %dma_wait3A_128] : memref<1024x32xf32, #tpu.memory_space<vmem>> -> memref<128x32xf32, #tpu.memory_space<vmem>>
      %dma_wait3A_130 = arith.constant 0 : i32
      %dma_wait3A_131 = tpu.memref_slice %arg5[%dma_wait3A_126, %dma_wait3A_130] : memref<8x128xi32, #tpu.memory_space<vmem>> -> memref<1x128xi32, #tpu.memory_space<vmem>>
      %dma_wait3A_132 = tpu.memref_squeeze %dma_wait3A_131 : memref<1x128xi32, #tpu.memory_space<vmem>> -> memref<128xi32, #tpu.memory_space<vmem>>
      %dma_wait3A_133 = arith.constant 0 : i32
      %dma_wait3A_134 = arith.constant 0 : i32
      %dma_wait3A_135 = tpu.memref_slice %arg3[%dma_wait3A_133, %dma_wait3A_134] : memref<1000000x32xf32, #tpu.memory_space<hbm>> -> memref<1000000x32xf32, #tpu.memory_space<hbm>>
      tpu.wait_indirect_dma semaphore(%arg8 : memref<!tpu.dma_semaphore, #tpu.memory_space<semaphore_mem>>) src(%dma_wait3A_135 : memref<1000000x32xf32, #tpu.memory_space<hbm>>) dst(%dma_wait3A_129 : memref<128x32xf32, #tpu.memory_space<vmem>>)
      %dma_wait3A_136 = arith.constant 3 : i32
      %dma_wait3A_137 = arith.constant 384 : i32
      %dma_wait3A_138 = arith.constant 0 : i32
      %dma_wait3A_139 = tpu.memref_slice %arg6[%dma_wait3A_137, %dma_wait3A_138] : memref<1024x32xf32, #tpu.memory_space<vmem>> -> memref<128x32xf32, #tpu.memory_space<vmem>>
      %dma_wait3A_140 = arith.constant 0 : i32
      %dma_wait3A_141 = tpu.memref_slice %arg5[%dma_wait3A_136, %dma_wait3A_140] : memref<8x128xi32, #tpu.memory_space<vmem>> -> memref<1x128xi32, #tpu.memory_space<vmem>>
      %dma_wait3A_142 = tpu.memref_squeeze %dma_wait3A_141 : memref<1x128xi32, #tpu.memory_space<vmem>> -> memref<128xi32, #tpu.memory_space<vmem>>
      %dma_wait3A_143 = arith.constant 0 : i32
      %dma_wait3A_144 = arith.constant 0 : i32
      %dma_wait3A_145 = tpu.memref_slice %arg3[%dma_wait3A_143, %dma_wait3A_144] : memref<1000000x32xf32, #tpu.memory_space<hbm>> -> memref<1000000x32xf32, #tpu.memory_space<hbm>>
      tpu.wait_indirect_dma semaphore(%arg8 : memref<!tpu.dma_semaphore, #tpu.memory_space<semaphore_mem>>) src(%dma_wait3A_145 : memref<1000000x32xf32, #tpu.memory_space<hbm>>) dst(%dma_wait3A_139 : memref<128x32xf32, #tpu.memory_space<vmem>>)
      %dma_wait3A_146 = arith.constant 4 : i32
      %dma_wait3A_147 = arith.constant 512 : i32
      %dma_wait3A_148 = arith.constant 0 : i32
      %dma_wait3A_149 = tpu.memref_slice %arg6[%dma_wait3A_147, %dma_wait3A_148] : memref<1024x32xf32, #tpu.memory_space<vmem>> -> memref<128x32xf32, #tpu.memory_space<vmem>>
      %dma_wait3A_150 = arith.constant 0 : i32
      %dma_wait3A_151 = tpu.memref_slice %arg5[%dma_wait3A_146, %dma_wait3A_150] : memref<8x128xi32, #tpu.memory_space<vmem>> -> memref<1x128xi32, #tpu.memory_space<vmem>>
      %dma_wait3A_152 = tpu.memref_squeeze %dma_wait3A_151 : memref<1x128xi32, #tpu.memory_space<vmem>> -> memref<128xi32, #tpu.memory_space<vmem>>
      %dma_wait3A_153 = arith.constant 0 : i32
      %dma_wait3A_154 = arith.constant 0 : i32
      %dma_wait3A_155 = tpu.memref_slice %arg3[%dma_wait3A_153, %dma_wait3A_154] : memref<1000000x32xf32, #tpu.memory_space<hbm>> -> memref<1000000x32xf32, #tpu.memory_space<hbm>>
      tpu.wait_indirect_dma semaphore(%arg8 : memref<!tpu.dma_semaphore, #tpu.memory_space<semaphore_mem>>) src(%dma_wait3A_155 : memref<1000000x32xf32, #tpu.memory_space<hbm>>) dst(%dma_wait3A_149 : memref<128x32xf32, #tpu.memory_space<vmem>>)
      %dma_wait3A_156 = arith.constant 5 : i32
      %dma_wait3A_157 = arith.constant 640 : i32
      %dma_wait3A_158 = arith.constant 0 : i32
      %dma_wait3A_159 = tpu.memref_slice %arg6[%dma_wait3A_157, %dma_wait3A_158] : memref<1024x32xf32, #tpu.memory_space<vmem>> -> memref<128x32xf32, #tpu.memory_space<vmem>>
      %dma_wait3A_160 = arith.constant 0 : i32
      %dma_wait3A_161 = tpu.memref_slice %arg5[%dma_wait3A_156, %dma_wait3A_160] : memref<8x128xi32, #tpu.memory_space<vmem>> -> memref<1x128xi32, #tpu.memory_space<vmem>>
      %dma_wait3A_162 = tpu.memref_squeeze %dma_wait3A_161 : memref<1x128xi32, #tpu.memory_space<vmem>> -> memref<128xi32, #tpu.memory_space<vmem>>
      %dma_wait3A_163 = arith.constant 0 : i32
      %dma_wait3A_164 = arith.constant 0 : i32
      %dma_wait3A_165 = tpu.memref_slice %arg3[%dma_wait3A_163, %dma_wait3A_164] : memref<1000000x32xf32, #tpu.memory_space<hbm>> -> memref<1000000x32xf32, #tpu.memory_space<hbm>>
      tpu.wait_indirect_dma semaphore(%arg8 : memref<!tpu.dma_semaphore, #tpu.memory_space<semaphore_mem>>) src(%dma_wait3A_165 : memref<1000000x32xf32, #tpu.memory_space<hbm>>) dst(%dma_wait3A_159 : memref<128x32xf32, #tpu.memory_space<vmem>>)
      %dma_wait3A_166 = arith.constant 6 : i32
      %dma_wait3A_167 = arith.constant 768 : i32
      %dma_wait3A_168 = arith.constant 0 : i32
      %dma_wait3A_169 = tpu.memref_slice %arg6[%dma_wait3A_167, %dma_wait3A_168] : memref<1024x32xf32, #tpu.memory_space<vmem>> -> memref<128x32xf32, #tpu.memory_space<vmem>>
      %dma_wait3A_170 = arith.constant 0 : i32
      %dma_wait3A_171 = tpu.memref_slice %arg5[%dma_wait3A_166, %dma_wait3A_170] : memref<8x128xi32, #tpu.memory_space<vmem>> -> memref<1x128xi32, #tpu.memory_space<vmem>>
      %dma_wait3A_172 = tpu.memref_squeeze %dma_wait3A_171 : memref<1x128xi32, #tpu.memory_space<vmem>> -> memref<128xi32, #tpu.memory_space<vmem>>
      %dma_wait3A_173 = arith.constant 0 : i32
      %dma_wait3A_174 = arith.constant 0 : i32
      %dma_wait3A_175 = tpu.memref_slice %arg3[%dma_wait3A_173, %dma_wait3A_174] : memref<1000000x32xf32, #tpu.memory_space<hbm>> -> memref<1000000x32xf32, #tpu.memory_space<hbm>>
      tpu.wait_indirect_dma semaphore(%arg8 : memref<!tpu.dma_semaphore, #tpu.memory_space<semaphore_mem>>) src(%dma_wait3A_175 : memref<1000000x32xf32, #tpu.memory_space<hbm>>) dst(%dma_wait3A_169 : memref<128x32xf32, #tpu.memory_space<vmem>>)
      %dma_wait3A_176 = arith.constant 7 : i32
      %dma_wait3A_177 = arith.constant 896 : i32
      %dma_wait3A_178 = arith.constant 0 : i32
      %dma_wait3A_179 = tpu.memref_slice %arg6[%dma_wait3A_177, %dma_wait3A_178] : memref<1024x32xf32, #tpu.memory_space<vmem>> -> memref<128x32xf32, #tpu.memory_space<vmem>>
      %dma_wait3A_180 = arith.constant 0 : i32
      %dma_wait3A_181 = tpu.memref_slice %arg5[%dma_wait3A_176, %dma_wait3A_180] : memref<8x128xi32, #tpu.memory_space<vmem>> -> memref<1x128xi32, #tpu.memory_space<vmem>>
      %dma_wait3A_182 = tpu.memref_squeeze %dma_wait3A_181 : memref<1x128xi32, #tpu.memory_space<vmem>> -> memref<128xi32, #tpu.memory_space<vmem>>
      %dma_wait3A_183 = arith.constant 0 : i32
      %dma_wait3A_184 = arith.constant 0 : i32
      %dma_wait3A_185 = tpu.memref_slice %arg3[%dma_wait3A_183, %dma_wait3A_184] : memref<1000000x32xf32, #tpu.memory_space<hbm>> -> memref<1000000x32xf32, #tpu.memory_space<hbm>>
      tpu.wait_indirect_dma semaphore(%arg8 : memref<!tpu.dma_semaphore, #tpu.memory_space<semaphore_mem>>) src(%dma_wait3A_185 : memref<1000000x32xf32, #tpu.memory_space<hbm>>) dst(%dma_wait3A_179 : memref<128x32xf32, #tpu.memory_space<vmem>>)
      %scan3A_186 = arith.constant 0 : i32
      %scan3A_187 = arith.constant 0 : i32
      %scan3A_188 = arith.constant 256 : i32
      %scan3A_189 = arith.addi %scan3A_187, %scan3A_188 : i32
      %scan3A_190 = arith.constant 1 : i32
      scf.for %scan3A_217 = %scan3A_187 to %scan3A_189 step %scan3A_190  : i32 {
        %mul3A_218 = arith.constant 4 : i32
        %mul3A_219 = arith.muli %mul3A_218, %scan3A_217 : i32
        %add3A_220 = arith.constant 0 : i32
        %add3A_221 = arith.addi %mul3A_219, %add3A_220 : i32
        %get3A = arith.index_cast %add3A_221 : i32 to index
        %get3A_222 = arith.constant 0 : index
        %get3A_223 = tpu.vector_load %arg6[%get3A, %get3A_222] {strides = array<i32>} : memref<1024x32xf32, #tpu.memory_space<vmem>>, vector<1x16xf32>,
        %get3A_224 = vector.shape_cast %get3A_223 : vector<1x16xf32> to vector<16xf32>
        %swap3A = arith.index_cast %scan3A_217 : i32 to index
        %swap3A_225 = arith.constant 0 : index
        %swap3A_226 = tpu.vector_load %arg7[%swap3A, %swap3A_225] {strides = array<i32>} : memref<256x128xf32, #tpu.memory_space<vmem>>, vector<1x16xf32>,
        %swap3A_227 = vector.shape_cast %swap3A_226 : vector<1x16xf32> to vector<16xf32>
        %swap3A_228 = vector.shape_cast %get3A_224 : vector<16xf32> to vector<1x16xf32>
        tpu.vector_store %arg7[%swap3A, %swap3A_225], %swap3A_228 {strides = array<i32>} : memref<256x128xf32, #tpu.memory_space<vmem>>, vector<1x16xf32>,
        %mul3A_229 = arith.constant 4 : i32
        %mul3A_230 = arith.muli %mul3A_229, %scan3A_217 : i32
        %add3A_231 = arith.constant 0 : i32
        %add3A_232 = arith.addi %mul3A_230, %add3A_231 : i32
        %get3A_233 = arith.index_cast %add3A_232 : i32 to index
        %get3A_234 = arith.constant 16 : index
        %get3A_235 = tpu.vector_load %arg6[%get3A_233, %get3A_234] {strides = array<i32>} : memref<1024x32xf32, #tpu.memory_space<vmem>>, vector<1x16xf32>,
        %get3A_236 = vector.shape_cast %get3A_235 : vector<1x16xf32> to vector<16xf32>
        %swap3A_237 = arith.index_cast %scan3A_217 : i32 to index
        %swap3A_238 = arith.constant 16 : index
        %swap3A_239 = tpu.vector_load %arg7[%swap3A_237, %swap3A_238] {strides = array<i32>} : memref<256x128xf32, #tpu.memory_space<vmem>>, vector<1x16xf32>,
        %swap3A_240 = vector.shape_cast %swap3A_239 : vector<1x16xf32> to vector<16xf32>
        %swap3A_241 = vector.shape_cast %get3A_236 : vector<16xf32> to vector<1x16xf32>
        tpu.vector_store %arg7[%swap3A_237, %swap3A_238], %swap3A_241 {strides = array<i32>} : memref<256x128xf32, #tpu.memory_space<vmem>>, vector<1x16xf32>,
        %mul3A_242 = arith.constant 4 : i32
        %mul3A_243 = arith.muli %mul3A_242, %scan3A_217 : i32
        %add3A_244 = arith.constant 1 : i32
        %add3A_245 = arith.addi %mul3A_243, %add3A_244 : i32
        %get3A_246 = arith.index_cast %add3A_245 : i32 to index
        %get3A_247 = arith.constant 0 : index
        %get3A_248 = tpu.vector_load %arg6[%get3A_246, %get3A_247] {strides = array<i32>} : memref<1024x32xf32, #tpu.memory_space<vmem>>, vector<1x16xf32>,
        %get3A_249 = vector.shape_cast %get3A_248 : vector<1x16xf32> to vector<16xf32>
        %swap3A_250 = arith.index_cast %scan3A_217 : i32 to index
        %swap3A_251 = arith.constant 32 : index
        %swap3A_252 = tpu.vector_load %arg7[%swap3A_250, %swap3A_251] {strides = array<i32>} : memref<256x128xf32, #tpu.memory_space<vmem>>, vector<1x16xf32>,
        %swap3A_253 = vector.shape_cast %swap3A_252 : vector<1x16xf32> to vector<16xf32>
        %swap3A_254 = vector.shape_cast %get3A_249 : vector<16xf32> to vector<1x16xf32>
        tpu.vector_store %arg7[%swap3A_250, %swap3A_251], %swap3A_254 {strides = array<i32>} : memref<256x128xf32, #tpu.memory_space<vmem>>, vector<1x16xf32>,
        %mul3A_255 = arith.constant 4 : i32
        %mul3A_256 = arith.muli %mul3A_255, %scan3A_217 : i32
        %add3A_257 = arith.constant 1 : i32
        %add3A_258 = arith.addi %mul3A_256, %add3A_257 : i32
        %get3A_259 = arith.index_cast %add3A_258 : i32 to index
        %get3A_260 = arith.constant 16 : index
        %get3A_261 = tpu.vector_load %arg6[%get3A_259, %get3A_260] {strides = array<i32>} : memref<1024x32xf32, #tpu.memory_space<vmem>>, vector<1x16xf32>,
        %get3A_262 = vector.shape_cast %get3A_261 : vector<1x16xf32> to vector<16xf32>
        %swap3A_263 = arith.index_cast %scan3A_217 : i32 to index
        %swap3A_264 = arith.constant 48 : index
        %swap3A_265 = tpu.vector_load %arg7[%swap3A_263, %swap3A_264] {strides = array<i32>} : memref<256x128xf32, #tpu.memory_space<vmem>>, vector<1x16xf32>,
        %swap3A_266 = vector.shape_cast %swap3A_265 : vector<1x16xf32> to vector<16xf32>
        %swap3A_267 = vector.shape_cast %get3A_262 : vector<16xf32> to vector<1x16xf32>
        tpu.vector_store %arg7[%swap3A_263, %swap3A_264], %swap3A_267 {strides = array<i32>} : memref<256x128xf32, #tpu.memory_space<vmem>>, vector<1x16xf32>,
        %mul3A_268 = arith.constant 4 : i32
        %mul3A_269 = arith.muli %mul3A_268, %scan3A_217 : i32
        %add3A_270 = arith.constant 2 : i32
        %add3A_271 = arith.addi %mul3A_269, %add3A_270 : i32
        %get3A_272 = arith.index_cast %add3A_271 : i32 to index
        %get3A_273 = arith.constant 0 : index
        %get3A_274 = tpu.vector_load %arg6[%get3A_272, %get3A_273] {strides = array<i32>} : memref<1024x32xf32, #tpu.memory_space<vmem>>, vector<1x16xf32>,
        %get3A_275 = vector.shape_cast %get3A_274 : vector<1x16xf32> to vector<16xf32>
        %swap3A_276 = arith.index_cast %scan3A_217 : i32 to index
        %swap3A_277 = arith.constant 64 : index
        %swap3A_278 = tpu.vector_load %arg7[%swap3A_276, %swap3A_277] {strides = array<i32>} : memref<256x128xf32, #tpu.memory_space<vmem>>, vector<1x16xf32>,
        %swap3A_279 = vector.shape_cast %swap3A_278 : vector<1x16xf32> to vector<16xf32>
        %swap3A_280 = vector.shape_cast %get3A_275 : vector<16xf32> to vector<1x16xf32>
        tpu.vector_store %arg7[%swap3A_276, %swap3A_277], %swap3A_280 {strides = array<i32>} : memref<256x128xf32, #tpu.memory_space<vmem>>, vector<1x16xf32>,
        %mul3A_281 = arith.constant 4 : i32
        %mul3A_282 = arith.muli %mul3A_281, %scan3A_217 : i32
        %add3A_283 = arith.constant 2 : i32
        %add3A_284 = arith.addi %mul3A_282, %add3A_283 : i32
        %get3A_285 = arith.index_cast %add3A_284 : i32 to index
        %get3A_286 = arith.constant 16 : index
        %get3A_287 = tpu.vector_load %arg6[%get3A_285, %get3A_286] {strides = array<i32>} : memref<1024x32xf32, #tpu.memory_space<vmem>>, vector<1x16xf32>,
        %get3A_288 = vector.shape_cast %get3A_287 : vector<1x16xf32> to vector<16xf32>
        %swap3A_289 = arith.index_cast %scan3A_217 : i32 to index
        %swap3A_290 = arith.constant 80 : index
        %swap3A_291 = tpu.vector_load %arg7[%swap3A_289, %swap3A_290] {strides = array<i32>} : memref<256x128xf32, #tpu.memory_space<vmem>>, vector<1x16xf32>,
        %swap3A_292 = vector.shape_cast %swap3A_291 : vector<1x16xf32> to vector<16xf32>
        %swap3A_293 = vector.shape_cast %get3A_288 : vector<16xf32> to vector<1x16xf32>
        tpu.vector_store %arg7[%swap3A_289, %swap3A_290], %swap3A_293 {strides = array<i32>} : memref<256x128xf32, #tpu.memory_space<vmem>>, vector<1x16xf32>,
        %mul3A_294 = arith.constant 4 : i32
        %mul3A_295 = arith.muli %mul3A_294, %scan3A_217 : i32
        %add3A_296 = arith.constant 3 : i32
        %add3A_297 = arith.addi %mul3A_295, %add3A_296 : i32
        %get3A_298 = arith.index_cast %add3A_297 : i32 to index
        %get3A_299 = arith.constant 0 : index
        %get3A_300 = tpu.vector_load %arg6[%get3A_298, %get3A_299] {strides = array<i32>} : memref<1024x32xf32, #tpu.memory_space<vmem>>, vector<1x16xf32>,
        %get3A_301 = vector.shape_cast %get3A_300 : vector<1x16xf32> to vector<16xf32>
        %swap3A_302 = arith.index_cast %scan3A_217 : i32 to index
        %swap3A_303 = arith.constant 96 : index
        %swap3A_304 = tpu.vector_load %arg7[%swap3A_302, %swap3A_303] {strides = array<i32>} : memref<256x128xf32, #tpu.memory_space<vmem>>, vector<1x16xf32>,
        %swap3A_305 = vector.shape_cast %swap3A_304 : vector<1x16xf32> to vector<16xf32>
        %swap3A_306 = vector.shape_cast %get3A_301 : vector<16xf32> to vector<1x16xf32>
        tpu.vector_store %arg7[%swap3A_302, %swap3A_303], %swap3A_306 {strides = array<i32>} : memref<256x128xf32, #tpu.memory_space<vmem>>, vector<1x16xf32>,
        %mul3A_307 = arith.constant 4 : i32
        %mul3A_308 = arith.muli %mul3A_307, %scan3A_217 : i32
        %add3A_309 = arith.constant 3 : i32
        %add3A_310 = arith.addi %mul3A_308, %add3A_309 : i32
        %get3A_311 = arith.index_cast %add3A_310 : i32 to index
        %get3A_312 = arith.constant 16 : index
        %get3A_313 = tpu.vector_load %arg6[%get3A_311, %get3A_312] {strides = array<i32>} : memref<1024x32xf32, #tpu.memory_space<vmem>>, vector<1x16xf32>,
        %get3A_314 = vector.shape_cast %get3A_313 : vector<1x16xf32> to vector<16xf32>
        %swap3A_315 = arith.index_cast %scan3A_217 : i32 to index
        %swap3A_316 = arith.constant 112 : index
        %swap3A_317 = tpu.vector_load %arg7[%swap3A_315, %swap3A_316] {strides = array<i32>} : memref<256x128xf32, #tpu.memory_space<vmem>>, vector<1x16xf32>,
        %swap3A_318 = vector.shape_cast %swap3A_317 : vector<1x16xf32> to vector<16xf32>
        %swap3A_319 = vector.shape_cast %get3A_314 : vector<16xf32> to vector<1x16xf32>
        tpu.vector_store %arg7[%swap3A_315, %swap3A_316], %swap3A_319 {strides = array<i32>} : memref<256x128xf32, #tpu.memory_space<vmem>>, vector<1x16xf32>,
      }
      %scan3A_191 = arith.constant 256 : i32
      %jit3A_192 = arith.constant 4 : i32
      %div3A_193 = arith.divsi %add3A_11, %jit3A_192 : i32
      %sign3A_194 = arith.constant 0 : i32
      %sign3A_195 = arith.cmpi sgt, %add3A_11, %sign3A_194 : i32
      %sign3A_196 = arith.extui %sign3A_195 : i1 to i32
      %sign3A_197 = arith.constant 0 : i32
      %sign3A_198 = arith.cmpi slt, %add3A_11, %sign3A_197 : i32
      %sign3A_199 = arith.extui %sign3A_198 : i1 to i32
      %sign3A_200 = arith.subi %sign3A_196, %sign3A_199 : i32
      %sign3A_201 = arith.constant 0 : i32
      %sign3A_202 = arith.cmpi sgt, %jit3A_192, %sign3A_201 : i32
      %sign3A_203 = arith.extui %sign3A_202 : i1 to i32
      %sign3A_204 = arith.constant 0 : i32
      %sign3A_205 = arith.cmpi slt, %jit3A_192, %sign3A_204 : i32
      %sign3A_206 = arith.extui %sign3A_205 : i1 to i32
      %sign3A_207 = arith.subi %sign3A_203, %sign3A_206 : i32
      %ne3A_208 = arith.cmpi ne, %sign3A_200, %sign3A_207 : i32
      %rem3A_209 = arith.remsi %add3A_11, %jit3A_192 : i32
      %ne3A_210 = arith.constant 0 : i32
      %ne3A_211 = arith.cmpi ne, %rem3A_209, %ne3A_210 : i32
      %and3A_212 = arith.andi %ne3A_208, %ne3A_211 : i1
      %sub3A_213 = arith.constant 1 : i32
      %sub3A_214 = arith.subi %div3A_193, %sub3A_213 : i32
      %select_n3A_215 = arith.select %and3A_212, %sub3A_214, %div3A_193 : i32
      %multiple_of3A_216 = tpu.assume_multiple %select_n3A_215, 8 : i32
      "tpu.region"() ({
        %run_scoped3A = tpu.sem_alloc : memref<!tpu.dma_semaphore, #tpu.memory_space<semaphore_mem>>
        %dma_start3A_217 = arith.constant 0 : i32
        %dma_start3A_218 = tpu.memref_slice %arg4[%multiple_of3A_216, %dma_start3A_217] : memref<204800x128xf32, #tpu.memory_space<hbm>> -> memref<256x128xf32, #tpu.memory_space<hbm>>
        %dma_start3A_219 = arith.constant 0 : i32
        %dma_start3A_220 = tpu.memref_slice %arg4[%multiple_of3A_216, %dma_start3A_219] : memref<204800x128xf32, #tpu.memory_space<hbm>> -> memref<256x128xf32, #tpu.memory_space<hbm>>
        tpu.enqueue_dma source(%arg7 : memref<256x128xf32, #tpu.memory_space<vmem>>) target(%dma_start3A_220 : memref<256x128xf32, #tpu.memory_space<hbm>>) target_semaphore(%run_scoped3A : memref<!tpu.dma_semaphore, #tpu.memory_space<semaphore_mem>>)
        %dma_wait3A_221 = arith.constant 0 : i32
        %dma_wait3A_222 = tpu.memref_slice %arg4[%multiple_of3A_216, %dma_wait3A_221] : memref<204800x128xf32, #tpu.memory_space<hbm>> -> memref<256x128xf32, #tpu.memory_space<hbm>>
        %dma_wait3A_223 = arith.constant 0 : i32
        %dma_wait3A_224 = tpu.memref_slice %arg4[%multiple_of3A_216, %dma_wait3A_223] : memref<204800x128xf32, #tpu.memory_space<hbm>> -> memref<256x128xf32, #tpu.memory_space<hbm>>
        tpu.wait_dma2 semaphore(%run_scoped3A : memref<!tpu.dma_semaphore, #tpu.memory_space<semaphore_mem>>) src(%arg7 : memref<256x128xf32, #tpu.memory_space<vmem>>) dst(%dma_wait3A_224 : memref<256x128xf32, #tpu.memory_space<hbm>>)
        tpu.yield
      }) : () -> ()
    }
    %scan3A_7 = arith.constant 25 : i32
    return
  }
}

module attributes {stable_mosaic.version = 14 : i64} {
  func.func @body(%arg0: i32, %arg1: memref<204800x128xf32, #tpu.memory_space<hbm>>, %arg2: memref<128x256xf32, #tpu.memory_space<vmem>>, %arg3: memref<1x256xf32, #tpu.memory_space<vmem>>, %arg4: memref<2048x256xf32, #tpu.memory_space<vmem>>, %arg5: memref<2x2048x128xf32, #tpu.memory_space<vmem>>, %arg6: memref<!tpu.dma_semaphore, #tpu.memory_space<semaphore_mem>>) attributes {dimension_semantics = [#tpu.dimension_semantics<arbitrary>], iteration_bounds = array<i64: 100>, scalar_prefetch = 0 : i64, scratch_operands = 2 : i64, tpu.core_type = #tpu.core_type<tc>, window_params = [{}, {pipeline_mode = #tpu.pipeline_mode<synchronous>, transform_indices = @transform_1, window_bounds = array<i64: 128, 256>}, {pipeline_mode = #tpu.pipeline_mode<synchronous>, transform_indices = @transform_2, window_bounds = array<i64: 1, 256>}, {transform_indices = @transform_3, window_bounds = array<i64: 2048, 256>}]} {
    %eq3A = arith.constant 0 : i32
    %eq3A_0 = arith.cmpi eq, %arg0, %eq3A : i32
    %convert_element_type3A = arith.extui %eq3A_0 : i1 to i32
    %cond3A = arith.constant 0 : i32
    %cond3A_1 = arith.cmpi ne, %convert_element_type3A, %cond3A : i32
    scf.if %cond3A_1 {
      %dma_start3A = arith.constant 0 : i32
      %dma_start3A_57 = arith.constant 0 : i32
      %dma_start3A_58 = arith.constant 0 : i32
      %dma_start3A_59 = tpu.memref_slice %arg5[%dma_start3A, %dma_start3A_57, %dma_start3A_58] : memref<2x2048x128xf32, #tpu.memory_space<vmem>> -> memref<1x2048x128xf32, #tpu.memory_space<vmem>>
      %dma_start3A_60 = tpu.memref_squeeze %dma_start3A_59 : memref<1x2048x128xf32, #tpu.memory_space<vmem>> -> memref<2048x128xf32, #tpu.memory_space<vmem>>
      %dma_start3A_61 = arith.constant 0 : i32
      %dma_start3A_62 = arith.constant 0 : i32
      %dma_start3A_63 = tpu.memref_slice %arg1[%dma_start3A_61, %dma_start3A_62] : memref<204800x128xf32, #tpu.memory_space<hbm>> -> memref<2048x128xf32, #tpu.memory_space<hbm>>
      tpu.enqueue_dma source(%dma_start3A_63 : memref<2048x128xf32, #tpu.memory_space<hbm>>) target(%dma_start3A_60 : memref<2048x128xf32, #tpu.memory_space<vmem>>) target_semaphore(%arg6 : memref<!tpu.dma_semaphore, #tpu.memory_space<semaphore_mem>>)
    } else {
    }
    %add3A = arith.constant 1 : i32
    %add3A_2 = arith.addi %arg0, %add3A : i32
    %lt3A = arith.constant 100 : i32
    %lt3A_3 = arith.cmpi slt, %add3A_2, %lt3A : i32
    %convert_element_type3A_4 = arith.extui %lt3A_3 : i1 to i32
    %cond3A_5 = arith.constant 0 : i32
    %cond3A_6 = arith.cmpi ne, %convert_element_type3A_4, %cond3A_5 : i32
    scf.if %cond3A_6 {
      %add3A_57 = arith.constant 1 : i32
      %add3A_58 = arith.addi %arg0, %add3A_57 : i32
      %mul3A_59 = arith.constant 2048 : i32
      %mul3A_60 = arith.muli %add3A_58, %mul3A_59 : i32
      %add3A_61 = arith.constant 1 : i32
      %add3A_62 = arith.addi %arg0, %add3A_61 : i32
      %jit3A_63 = arith.constant 2 : i32
      %eq3A_64 = arith.constant 0 : i32
      %eq3A_65 = arith.cmpi eq, %jit3A_63, %eq3A_64 : i32
      %jit3A_66 = arith.constant 1 : i32
      %select_n3A_67 = arith.select %eq3A_65, %jit3A_66, %jit3A_63 : i32
      %rem3A_68 = arith.remsi %add3A_62, %select_n3A_67 : i32
      %ne3A_69 = arith.constant 0 : i32
      %ne3A_70 = arith.cmpi ne, %rem3A_68, %ne3A_69 : i32
      %lt3A_71 = arith.constant 0 : i32
      %lt3A_72 = arith.cmpi slt, %rem3A_68, %lt3A_71 : i32
      %lt3A_73 = arith.constant 0 : i32
      %lt3A_74 = arith.cmpi slt, %select_n3A_67, %lt3A_73 : i32
      %ne3A_75 = arith.xori %lt3A_72, %lt3A_74 : i1
      %and3A_76 = arith.andi %ne3A_75, %ne3A_70 : i1
      %add3A_77 = arith.addi %rem3A_68, %select_n3A_67 : i32
      %select_n3A_78 = arith.select %and3A_76, %add3A_77, %rem3A_68 : i32
      %dma_start3A = arith.constant 0 : i32
      %dma_start3A_79 = arith.constant 0 : i32
      %dma_start3A_80 = tpu.memref_slice %arg5[%select_n3A_78, %dma_start3A, %dma_start3A_79] : memref<2x2048x128xf32, #tpu.memory_space<vmem>> -> memref<1x2048x128xf32, #tpu.memory_space<vmem>>
      %dma_start3A_81 = tpu.memref_squeeze %dma_start3A_80 : memref<1x2048x128xf32, #tpu.memory_space<vmem>> -> memref<2048x128xf32, #tpu.memory_space<vmem>>
      %dma_start3A_82 = arith.constant 0 : i32
      %dma_start3A_83 = tpu.memref_slice %arg1[%mul3A_60, %dma_start3A_82] : memref<204800x128xf32, #tpu.memory_space<hbm>> -> memref<2048x128xf32, #tpu.memory_space<hbm>>
      tpu.enqueue_dma source(%dma_start3A_83 : memref<2048x128xf32, #tpu.memory_space<hbm>>) target(%dma_start3A_81 : memref<2048x128xf32, #tpu.memory_space<vmem>>) target_semaphore(%arg6 : memref<!tpu.dma_semaphore, #tpu.memory_space<semaphore_mem>>)
    } else {
    }
    %mul3A = arith.constant 2048 : i32
    %mul3A_7 = arith.muli %arg0, %mul3A : i32
    %jit3A = arith.constant 2 : i32
    %eq3A_8 = arith.constant 0 : i32
    %eq3A_9 = arith.cmpi eq, %jit3A, %eq3A_8 : i32
    %jit3A_10 = arith.constant 1 : i32
    %select_n3A = arith.select %eq3A_9, %jit3A_10, %jit3A : i32
    %rem3A = arith.remsi %arg0, %select_n3A : i32
    %ne3A = arith.constant 0 : i32
    %ne3A_11 = arith.cmpi ne, %rem3A, %ne3A : i32
    %lt3A_12 = arith.constant 0 : i32
    %lt3A_13 = arith.cmpi slt, %rem3A, %lt3A_12 : i32
    %lt3A_14 = arith.constant 0 : i32
    %lt3A_15 = arith.cmpi slt, %select_n3A, %lt3A_14 : i32
    %ne3A_16 = arith.xori %lt3A_13, %lt3A_15 : i1
    %and3A = arith.andi %ne3A_16, %ne3A_11 : i1
    %add3A_17 = arith.addi %rem3A, %select_n3A : i32
    %select_n3A_18 = arith.select %and3A, %add3A_17, %rem3A : i32
    %dma_wait3A = arith.constant 0 : i32
    %dma_wait3A_19 = arith.constant 0 : i32
    %dma_wait3A_20 = tpu.memref_slice %arg5[%select_n3A_18, %dma_wait3A, %dma_wait3A_19] : memref<2x2048x128xf32, #tpu.memory_space<vmem>> -> memref<1x2048x128xf32, #tpu.memory_space<vmem>>
    %dma_wait3A_21 = tpu.memref_squeeze %dma_wait3A_20 : memref<1x2048x128xf32, #tpu.memory_space<vmem>> -> memref<2048x128xf32, #tpu.memory_space<vmem>>
    %dma_wait3A_22 = arith.constant 0 : i32
    %dma_wait3A_23 = tpu.memref_slice %arg1[%mul3A_7, %dma_wait3A_22] : memref<204800x128xf32, #tpu.memory_space<hbm>> -> memref<2048x128xf32, #tpu.memory_space<hbm>>
    tpu.wait_dma2 semaphore(%arg6 : memref<!tpu.dma_semaphore, #tpu.memory_space<semaphore_mem>>) src(%dma_wait3A_23 : memref<2048x128xf32, #tpu.memory_space<hbm>>) dst(%dma_wait3A_21 : memref<2048x128xf32, #tpu.memory_space<vmem>>)
    %jit3A_24 = arith.constant 2 : i32
    %eq3A_25 = arith.constant 0 : i32
    %eq3A_26 = arith.cmpi eq, %jit3A_24, %eq3A_25 : i32
    %jit3A_27 = arith.constant 1 : i32
    %select_n3A_28 = arith.select %eq3A_26, %jit3A_27, %jit3A_24 : i32
    %rem3A_29 = arith.remsi %arg0, %select_n3A_28 : i32
    %ne3A_30 = arith.constant 0 : i32
    %ne3A_31 = arith.cmpi ne, %rem3A_29, %ne3A_30 : i32
    %lt3A_32 = arith.constant 0 : i32
    %lt3A_33 = arith.cmpi slt, %rem3A_29, %lt3A_32 : i32
    %lt3A_34 = arith.constant 0 : i32
    %lt3A_35 = arith.cmpi slt, %select_n3A_28, %lt3A_34 : i32
    %ne3A_36 = arith.xori %lt3A_33, %lt3A_35 : i1
    %and3A_37 = arith.andi %ne3A_36, %ne3A_31 : i1
    %add3A_38 = arith.addi %rem3A_29, %select_n3A_28 : i32
    %select_n3A_39 = arith.select %and3A_37, %add3A_38, %rem3A_29 : i32
    %get3A = arith.index_cast %select_n3A_39 : i32 to index
    %get3A_40 = arith.constant 0 : index
    %get3A_41 = arith.constant 0 : index
    %get3A_42 = vector.load %arg5[%get3A, %get3A_40, %get3A_41] : memref<2x2048x128xf32, #tpu.memory_space<vmem>>, vector<1x2048x128xf32>
    %get3A_43 = vector.shape_cast %get3A_42 : vector<1x2048x128xf32> to vector<2048x128xf32>
    %get3A_44 = arith.constant 0 : index
    %get3A_45 = arith.constant 0 : index
    %get3A_46 = vector.load %arg2[%get3A_44, %get3A_45] : memref<128x256xf32, #tpu.memory_space<vmem>>, vector<128x256xf32>
    %dot_general3A = arith.constant dense<0.000000e+00> : vector<2048x256xf32>
    %dot_general3A_47 = tpu.matmul %get3A_43, %get3A_46, %dot_general3A {dimension_numbers = #tpu.dot_dimension_numbers<[1], [0], [0], [1], [0, 0, 1, 1], [], []>, transpose_lhs_hint = false} : vector<2048x128xf32>, vector<128x256xf32>, vector<2048x256xf32> -> vector<2048x256xf32>
    %get3A_48 = arith.constant 0 : index
    %get3A_49 = arith.constant 0 : index
    %get3A_50 = vector.load %arg3[%get3A_48, %get3A_49] : memref<1x256xf32, #tpu.memory_space<vmem>>, vector<1x256xf32>
    %add3A_51 = vector.broadcast %get3A_50 : vector<1x256xf32> to vector<2048x256xf32>
    %add3A_52 = arith.addf %dot_general3A_47, %add3A_51 : vector<2048x256xf32>
    %max3A = arith.constant 0.000000e+00 : f32
    %max3A_53 = vector.broadcast %max3A : f32 to vector<2048x256xf32>
    %max3A_54 = arith.maximumf %add3A_52, %max3A_53 : vector<2048x256xf32>
    %swap3A = arith.constant 0 : index
    %swap3A_55 = arith.constant 0 : index
    %swap3A_56 = vector.load %arg4[%swap3A, %swap3A_55] : memref<2048x256xf32, #tpu.memory_space<vmem>>, vector<2048x256xf32>
    tpu.vector_store %arg4[%swap3A, %swap3A_55], %max3A_54 {strides = array<i32>} : memref<2048x256xf32, #tpu.memory_space<vmem>>, vector<2048x256xf32>,
    return
  }
  func.func @transform_1(%arg0: i32) -> (i32, i32) {
    %c0_i32 = arith.constant 0 : i32
    %c0_i32_0 = arith.constant 0 : i32
    %c0_i32_1 = arith.constant 0 : i32
    return %c0_i32, %c0_i32_0 : i32, i32
  }
  func.func @transform_2(%arg0: i32) -> (i32, i32) {
    %c0_i32 = arith.constant 0 : i32
    %c0_i32_0 = arith.constant 0 : i32
    %c0_i32_1 = arith.constant 0 : i32
    return %c0_i32, %c0_i32_0 : i32, i32
  }
  func.func @transform_3(%arg0: i32) -> (i32, i32) {
    %c0_i32 = arith.constant 0 : i32
    %c0_i32_0 = arith.constant 0 : i32
    return %arg0, %c0_i32 : i32, i32
  }
}

</mosaic_0001>

<sc_bundles>
// kernel: kernel.4.cloned.1.call-start
scs
__scs_entry_jumppad:
0x0: {  	(pc) =	sbr.rel $0x88, $3  }
0x1: {  	(tag) =	ssettag $0x0;
	lr =	simm.s32 $0x1  }
0x2: {  	[smem:$0x3F9D] =	sst lr;
	_ =	strace $0xD0000000  }
0x3: {  	_ = 	snop  }
0x4: {  	_ = 	snop  }
0x5: {  	_ = 	snop  }
0x6: {  	_ = 	snop  }
0x7: {  	_ = 	snop  }
__scs_overlays_trampoline_lowered:
0x8: {  	[smem:$0x3FAC] =	sst s0  }
0x9: {  	[smem:$0x3FAD] =	sst s1  }
0xa: {  	[smem:$0x3FAE] =	sst s2  }
0xb: {  	[smem:$0x3FAF] =	sst s3  }
0xc: {  	[smem:$0x3FB0] =	sst s4  }
0xd: {  	[smem:$0x3FB1] =	sst s5  }
0xe: {  	[smem:$0x3FB2] =	sst s6  }
0xf: {  	[smem:$0x3FB3] =	sst s7  }
0x10: {  	[smem:$0x3FB4] =	sst s8  }
0x11: {  	[smem:$0x3FB5] =	sst s9;
	s0 =	simm.s32 @!p0 $0x0  }
0x12: {  	s1 =	sld [smem:$0x3F9B];
	s0 =	simm.s32 @p0 $0x1  }
0x13: {  	[smem:$0x3FB6] =	sst s0;
	s0 =	simm.s32 @!p1 $0x0  }
0x14: {  	s2 =	sld [smem:$0x3F9A];
	s0 =	simm.s32 @p1 $0x1  }
0x15: {  	[smem:$0x3FB7] =	sst s0;
	s0 =	simm.s32 @!p2 $0x0  }
0x16: {  	s3 =	sld [smem:$0x3FDB];
	s0 =	simm.s32 @p2 $0x1  }
0x17: {  	s4 =	simm.s32 $0x1BF5;
	[smem:$0x3FB9] =	sst s0  }
0x18: {  	s0 =	sld [smem:$0x3F9C];
	_ =	swait.ge [sflag:s4], $0x0  }
0x19: {  	s7 =	sld [smem:$0x3F9D]  }
0x1a: {  	s8 =	sadd.s32 $0xFFFFE003, lr  }
0x1b: {  	s9 =	sadd.s32 $0xFFFFFEF7, lr;
	s5 =	simm.s32 $0xFFFFFFFF;
	p2 =	slt.u32 s8, $0xFFFFF086  }
0x1c: {  	p1 =	slt.u32 s9, $0xF7A;
	s5 =	simm.s32 @!p2 $0x0  }
0x1d: {  	s5 =	simm.s32 @p1 $0x1;
	p0 =	seq.s32 s7, s2  }
0x1e: {  	s7 =	smul.u32 @!p0 $0xF7A, s2;
	p2 =	seq.s32 @!p0 s5, $0x0  }
0x1f: {  	s9 =	smul.u32 $0xF7A, s1;
	s8 =	simm.s32 @!p0 $0x1BF5;
	p2 =	por !p2, p0  }
0x20: {  	[sflag:s8] =	ssyncset.s32 @!p0 $0xFFFFF086;
	s6 =	sadd.s32 @!p0 s3, s7;
	s7 =	simm.s32 @!p0 $0x108  }
0x21: {  	s3 =	sadd.s32 s3, s9;
	s6 =	sadd.s32 @!p0 $0x88, s6;
	s7 =	simm.s32 @p2 $0x1082  }
0x22: {  	[simem:s7], [sflag:s8] =	dma.local @!p0 [hbm:s6], $0xF7A  }
0x23: {  	s9 =	sor.u32 $0xD0000000, s2;
	s6 =	simm.s32 $0x108;
	_ =	swait.ge @!p0 [sflag:s8], $0x0  }
0x24: {  	s3 =	sadd.s32 $0x88, s3;
	s6 =	simm.s32 @!p1 $0x1082;
	[sflag:s4] =	ssyncset.s32 $0xFFFFF086  }
0x25: {  	[simem:s6], [sflag:s4] =	dma.local [hbm:s3], $0xF7A  }
0x26: {  	[smem:$0x3F9D] =	sst s1;
	(tag) =	ssettag s2;
	_ =	strace s9  }
0x27: {  	s1 =	sld [smem:$0x3FAD]  }
0x28: {  	s2 =	sld [smem:$0x3FAE]  }
0x29: {  	s4 =	sld [smem:$0x3FB0]  }
0x2a: {  	p0 =	seq.s32 s5, $0x0;
	s5 =	sld [smem:$0x3FB1]  }
0x2b: {  	s6 =	sld [smem:$0x3FB2]  }
0x2c: {  	s7 =	sld [smem:$0x3FB3]  }
0x2d: {  	s3 =	simm.s32 $0x108;
	s8 =	sld [smem:$0x3FB4]  }
0x2e: {  	s3 =	simm.s32 @!p0 $0x1082;
	s9 =	sld [smem:$0x3FB5]  }
0x2f: {  	lr =	sadd.s32 s0, s3;
	s0 =	sld [smem:$0x3FAC]  }
0x30: {  	s3 =	sld [smem:$0x3FAF]  }
0x31: {  	[smem:$0x3FB8] =	sst s10  }
0x32: {  	s10 =	sld [smem:$0x3FB6];
	_ =	sdelay $0x3  }
0x33: {  	p0 =	seq.s32 s10, $0x1;
	s10 =	sld [smem:$0x3FB8];
	_ =	sdelay $0x3  }
0x34: {  	[smem:$0x3FB8] =	sst s10  }
0x35: {  	s10 =	sld [smem:$0x3FB7];
	_ =	sdelay $0x3  }
0x36: {  	p1 =	seq.s32 s10, $0x1;
	s10 =	sld [smem:$0x3FB8];
	_ =	sdelay $0x3  }
0x37: {  	[smem:$0x3FB8] =	sst s10  }
0x38: {  	s10 =	sld [smem:$0x3FB9]  }
0x39: {  	_ = 	snop;
	(pc) =	sbr.ind lr, $3  }
0x3a: {  	_ = 	snop  }
0x3b: {  	_ = 	snop  }
0x3c: {  	p2 =	seq.s32 s10, $0x1;
	s10 =	sld [smem:$0x3FB8]  }
0x3d: {  	_ =	shalt  }
0x3e: {  	_ =	shalt  }
0x3f: {  	_ =	shalt  }
0x40: {  	_ =	shalt  }
0x41: {  	_ =	shalt  }
0x42: {  	_ =	shalt  }
0x43: {  	_ =	shalt  }
0x44: {  	_ =	shalt  }
0x45: {  	_ =	shalt  }
0x46: {  	_ =	shalt  }
0x47: {  	_ =	shalt  }
0x48: {  	_ =	shalt  }
0x49: {  	_ =	shalt  }
0x4a: {  	_ =	shalt  }
0x4b: {  	_ =	shalt  }
0x4c: {  	_ =	shalt  }
0x4d: {  	_ =	shalt  }
0x4e: {  	_ =	shalt  }
0x4f: {  	_ =	shalt  }
0x50: {  	_ =	shalt  }
0x51: {  	_ =	shalt  }
0x52: {  	_ =	shalt  }
0x53: {  	_ =	shalt  }
0x54: {  	_ =	shalt  }
0x55: {  	_ =	shalt  }
0x56: {  	_ =	shalt  }
0x57: {  	_ =	shalt  }
0x58: {  	_ =	shalt  }
0x59: {  	_ =	shalt  }
0x5a: {  	_ =	shalt  }
0x5b: {  	_ =	shalt  }
0x5c: {  	_ =	shalt  }
0x5d: {  	_ =	shalt  }
0x5e: {  	_ =	shalt  }
0x5f: {  	_ =	shalt  }
0x60: {  	_ =	shalt  }
0x61: {  	_ =	shalt  }
0x62: {  	_ =	shalt  }
0x63: {  	_ =	shalt  }
0x64: {  	_ =	shalt  }
0x65: {  	_ =	shalt  }
0x66: {  	_ =	shalt  }
0x67: {  	_ =	shalt  }
0x68: {  	_ =	shalt  }
0x69: {  	_ =	shalt  }
0x6a: {  	_ =	shalt  }
0x6b: {  	_ =	shalt  }
0x6c: {  	_ =	shalt  }
0x6d: {  	_ =	shalt  }
0x6e: {  	_ =	shalt  }
0x6f: {  	_ =	shalt  }
0x70: {  	_ =	shalt  }
0x71: {  	_ =	shalt  }
0x72: {  	_ =	shalt  }
0x73: {  	_ =	shalt  }
0x74: {  	_ =	shalt  }
0x75: {  	_ =	shalt  }
0x76: {  	_ =	shalt  }
0x77: {  	_ =	shalt  }
0x78: {  	_ =	shalt  }
0x79: {  	_ =	shalt  }
0x7a: {  	_ =	shalt  }
0x7b: {  	_ =	shalt  }
0x7c: {  	_ =	shalt  }
0x7d: {  	_ =	shalt  }
0x7e: {  	_ =	shalt  }
0x7f: {  	_ =	shalt  }
0x80: {  	_ =	shalt  }
0x81: {  	_ =	shalt  }
0x82: {  	_ =	shalt  }
0x83: {  	_ =	shalt  }
0x84: {  	_ =	shalt  }
0x85: {  	_ =	shalt  }
0x86: {  	_ =	shalt  }
0x87: {  	_ =	shalt  }
.Lfunc_end0:
.L_simem_size_0:
called_computation.1_lowered:
.L_overlay_start_0:
0x88: {  	s2 =	sld [smem:$0x3FD9]  }
0x89: {  	s3 =	sld [smem:$0x3FFE];
	_ =	sdelay $0x1  }
0x8a: {  	s1 =	srdreg.scid  }
0x8b: {  	s0 =	sand.u32 $0x1, s1  }
0x8c: {  	s17 =	sshll.u32 s0, $0xA;
	s2 =	sadd.s32 s3, s2  }
0x8d: {  	s2 =	sadd.s32 s2, s17  }
0x8e: {  	[smem:$0x3FC4] =	sst s2  }
0x8f: {  	_ = 	snop  }
0x90: {  	s2 =	sld [smem:$0x3FD0];
	(tm) =	ssettm $0x1  }
0x91: {  	s18 =	sld [smem:$0x3FFB];
	_ =	sdelay $0x3  }
0x92: {  	_ =	strace s18  }
0x93: {  	s3 =	sld [smem:$0x3FFC];
	_ =	sdelay $0x3  }
0x94: {  	_ =	strace s3  }
0x95: {  	s3 =	sld [smem:$0x3FFD];
	_ =	sdelay $0x3  }
0x96: {  	_ =	strace s3  }
0x97: {  	_ =	strace $0x8FFFFFFF  }
0x98: {  	s19 =	sld [smem:$0x3FDB];
	_ =	sdelay $0x1  }
0x99: {  	s4 =	simm.s32 $_scs_section_size  }
0x9a: {  	s5 =	simm.s32 $_size__tile_overlayer_lowered;
	s6 =	simm.s32 $_tile_overlayer_lowered  }
0x9b: {  	s22 =	simm.s32 $0x1BFF;
	s21 =	sshll.u32 s6, $0x1;
	s3 =	sadd.s32 s4, s19  }
0x9c: {  	s7 =	simm.s32 $0x0;
	s20 =	sshll.u32 s5, $0x1;
	s5 =	sadd.s32 s21, s3  }
0x9d: {  	[timem:s7], [sflag:s22] =	dma.local [hbm:s5], s20  }
0x9e: {  	_ =	swait.ge [sflag:s22], s20  }
0x9f: {  	s4 =	ssub.s32 $0x0, s20;
	[sflag:s22] =	ssyncset.done $0x0  }
0xa0: {  	[sflag:s22] =	ssyncadd.s32 s4;
	_ =	sdelay $0x1  }
0xa1: {  	s23 =	simm.s32 $0x1B8B  }
0xa2: {  	_ =	swait.ge [sflag:s23], $0x1  }
0xa3: {  	[sflag:s23] =	ssyncset.done $0x0  }
0xa4: {  	s25 =	simm.s32 $0x1B8E;
	s24 =	sld [smem:$0x3FFE];
	[sflag:s23] =	ssyncadd.s32 $0xFFFFFFFF  }
0xa5: {  	s26 =	simm.s32 $execute0_lowered;
	[smem:$0x3FD2] =	sst s25  }
0xa6: {  	s5 =	sshll.u32 s26, $0x1;
	_ =	strace $0x80000046;
	[dreg:$0x1] =	wrdreg $0xFFFFFFFF  }
0xa7: {  	s28 =	simm.s32 $_size_execute0_lowered;
	s3 =	sadd.s32 s3, s5;
	[dreg:$0x0] =	wrdreg $0x0  }
0xa8: {  	s5 =	sshll.u32 s28, $0x1;
	[dreg:$0x2] =	wrdreg s3  }
0xa9: {  	[dreg:$0x3] =	wrdreg s5  }
0xaa: {  	[dreg:$0x4] =	wrdreg $0xC0  }
0xab: {  	_ =	task [dreg:s7], $0x5FFFF  }
0xac: {  	[dreg:$0x1] =	wrdreg $0xFFFFFFFF  }
0xad: {  	[dreg:$0x0] =	wrdreg $0x60  }
0xae: {  	[dreg:$0x2] =	wrdreg s24  }
0xaf: {  	[dreg:$0x3] =	wrdreg s2  }
0xb0: {  	[dreg:$0x4] =	wrdreg $0x9  }
0xb1: {  	_ =	task.clear_ibuf [dreg:s7], $0x5FFFF;
	_ =	strace $0x90000046  }
0xb2: {  	s29 =	simm.s32 $0x9;
	_ =	strace $0x80000048  }
0xb3: {  	_ =	swait.ge [sflag:s29], $0x1  }
0xb4: {  	[sflag:s29] =	ssyncadd.s32 $0xFFFFFFFF  }
0xb5: {  	_ =	strace $0x90000048  }
0xb6: {  	_ =	sfence  }
0xb7: {  	s30 =	sld [smem:$0x0];
	_ =	sdelay $0x2  }
0xb8: {  	s31 =	sshll.u32 s1, $0xD;
	s1 =	sshrl.u32 s1, $0x2  }
0xb9: {  	s3 =	sand.u32 $0x4000, s31;
	s1 =	sadd.s32 s1, s30  }
0xba: {  	s0 =	sor.u32 s3, s0;
	s1 =	sshll.u32 s1, $0x11  }
0xbb: {  	s0 =	sor.u32 s1, s0  }
0xbc: {  	s0 =	sadd.s32 $0x8F2B, s0  }
0xbd: {  	[sflag:s0] =	ssyncadd.remote.s32 $0x1  }
0xbe: {  	_ =	sfence.sel $0xFFFF  }
0xbf: {  	[dreg:$0x0] =	wrdreg $0xFFFFFFFF;
	(pc) =	sbr.abs _section_cstart, $3  }
0xc0: {  	[dreg:$0x1] =	wrdreg $0xFFFFFFFF  }
0xc1: {  	_ =	task.clear_ibuf [dreg:s7], $0x2FFFF;
	_ =	strace $0x9FFFFFFF  }
0xc2: {  	(tm) =	ssettm $0x7FFFFFFF  }
0xc3: {  	_ =	shalt  }
tec
execute0_lowered:
.L_overlay_start_1:
0x0: {  	(tag) =	ssettag $0x1  }
0x1: {  	s0 =	rddreg [dreg:$0x0]  }
0x2: {  	s1 =	rddreg [dreg:$0x1];
	s2 =	simm.s32 $0x0  }
0x3: {  	s3 =	srdreg.scid;
	s10 =	simm.s32 $0x400;
	s11 =	simm.s32 $0x1400  }
0x4: {  	s12 =	simm.s32 $0x100;
	s13 =	simm.s32 $0x2400;
	s14 =	simm.s32 $0x180  }
0x5: {  	s15 =	simm.s32 $0x3400;
	s16 =	simm.s32 $0x200;
	s17 =	simm.s32 $0x4400  }
0x6: {  	s18 =	simm.s32 $0x280;
	s19 =	simm.s32 $0x5400;
	s20 =	simm.s32 $0x300  }
0x7: {  	s21 =	simm.s32 $0x6400;
	s22 =	simm.s32 $0x380;
	s23 =	simm.s32 $0x7400  }
0x8: {  	s24 =	simm.s32 $0x1;
	s25 =	simm.s32 $0x8400;
	s26 =	simm.s32 $0x0  }
0x9: {  	[smem:$0x7FF] =	sst s2;
	s6 =	sand.u32 $0x1, s3;
	s3 =	stileid.u32  }
0xa: {  	s4 =	sadd.s32 $0xC00, s0;
	s5 =	sadd.s32 $0x19C00, s0;
	s7 =	ssub.s32 $0x2, s6  }
0xb: {  	_ =	strace $0x80000047;
	s9 =	sshll.u32 s3, $0x1;
	s8 =	sshrl.u32 s7, $0x1  }
0xc: {  	s6 =	sor.u32 s6, s9;
	s9 =	simm.s32 $0x80;
	s31 =	ssub.s32 s7, s8  }
0xd: {  	s6 =	smul.u32 $0x6400, s6;
	s8 =	simm.s32 $0x2;
	s7 =	smax.u32 s31, $0x1  }
.LBB2_1:
0xe: {  	s28 =	simm.s32 $0x0  }
.LBB2_2:
0xf: {  	s0 =	sshll.u32 s28, $0xA  }
0x10: {  	s29 =	sadd.s32 s6, s0  }
0x11: {  	s0 =	sshrl.u32 s29, $0x3  }
0x12: {  	s30 =	simm.s32 $0x0;
	s0 =	sadd.s32 s4, s0  }
0x13: {  	[tilespmem:s30], [sflag:$0x2] =	stream.linear.gather [hbm4b:s0+s30], $0x400, $0x38;
	[tilespmem:$0x10400] =	vst v63  }
0x14: {  	_ =	swait.ge [sflag:s8], $0x400  }
0x15: {  	[sflag:s8] =	ssyncset.done $0x0  }
0x16: {  	[sflag:s8] =	ssyncadd.s32 $0xFFFFFC00  }
0x17: {  	[tilespmem:s10], [sflag:$0x1] =	stream.indirect.gather [hbm4b:s1+s9], $0x20, s30, s9, $0xb8;
	[tilespmem:$0x10400] =	vst v63  }
0x18: {  	_ = 	snop  }
0x19: {  	[tilespmem:s11], [sflag:$0x1] =	stream.indirect.gather [hbm4b:s1+s9], $0x20, s9, s9, $0xb8;
	[tilespmem:$0x10400] =	vst v63  }
0x1a: {  	_ = 	snop  }
0x1b: {  	[tilespmem:s13], [sflag:$0x1] =	stream.indirect.gather [hbm4b:s1+s9], $0x20, s12, s9, $0xb8;
	[tilespmem:$0x10400] =	vst v63  }
0x1c: {  	_ = 	snop  }
0x1d: {  	[tilespmem:s15], [sflag:$0x1] =	stream.indirect.gather [hbm4b:s1+s9], $0x20, s14, s9, $0xb8;
	[tilespmem:$0x10400] =	vst v63  }
0x1e: {  	_ = 	snop  }
0x1f: {  	[tilespmem:s17], [sflag:$0x1] =	stream.indirect.gather [hbm4b:s1+s9], $0x20, s16, s9, $0xb8;
	[tilespmem:$0x10400] =	vst v63  }
0x20: {  	_ = 	snop  }
0x21: {  	[tilespmem:s19], [sflag:$0x1] =	stream.indirect.gather [hbm4b:s1+s9], $0x20, s18, s9, $0xb8;
	[tilespmem:$0x10400] =	vst v63  }
0x22: {  	_ = 	snop  }
0x23: {  	[tilespmem:s21], [sflag:$0x1] =	stream.indirect.gather [hbm4b:s1+s9], $0x20, s20, s9, $0xb8;
	[tilespmem:$0x10400] =	vst v63  }
0x24: {  	_ = 	snop  }
0x25: {  	[tilespmem:s23], [sflag:$0x1] =	stream.indirect.gather [hbm4b:s1+s9], $0x20, s22, s9, $0xb8;
	[tilespmem:$0x10400] =	vst v63  }
0x26: {  	_ =	swait.ge [sflag:s24], $0x1000  }
0x27: {  	[sflag:s24] =	ssyncset.done $0x0  }
0x28: {  	[sflag:s24] =	ssyncadd.s32 $0xFFFFF000  }
0x29: {  	_ =	swait.ge [sflag:s24], $0x1000  }
0x2a: {  	[sflag:s24] =	ssyncset.done $0x0  }
0x2b: {  	[sflag:s24] =	ssyncadd.s32 $0xFFFFF000  }
0x2c: {  	_ =	swait.ge [sflag:s24], $0x1000  }
0x2d: {  	[sflag:s24] =	ssyncset.done $0x0  }
0x2e: {  	[sflag:s24] =	ssyncadd.s32 $0xFFFFF000  }
0x2f: {  	_ =	swait.ge [sflag:s24], $0x1000  }
0x30: {  	[sflag:s24] =	ssyncset.done $0x0  }
0x31: {  	[sflag:s24] =	ssyncadd.s32 $0xFFFFF000  }
0x32: {  	_ =	swait.ge [sflag:s24], $0x1000  }
0x33: {  	[sflag:s24] =	ssyncset.done $0x0  }
0x34: {  	[sflag:s24] =	ssyncadd.s32 $0xFFFFF000  }
0x35: {  	_ =	swait.ge [sflag:s24], $0x1000  }
0x36: {  	[sflag:s24] =	ssyncset.done $0x0  }
0x37: {  	[sflag:s24] =	ssyncadd.s32 $0xFFFFF000  }
0x38: {  	_ =	swait.ge [sflag:s24], $0x1000  }
0x39: {  	[sflag:s24] =	ssyncset.done $0x0  }
0x3a: {  	[sflag:s24] =	ssyncadd.s32 $0xFFFFF000  }
0x3b: {  	_ =	swait.ge [sflag:s24], $0x1000  }
0x3c: {  	[sflag:s24] =	ssyncset.done $0x0  }
0x3d: {  	s30 =	simm.s32 $0x0;
	[sflag:s24] =	ssyncadd.s32 $0xFFFFF000  }
0x3e: {  	v3 =	vld [tilespmem:s30+$0x470]  }
0x3f: {  	v4 =	vld [tilespmem:s30+$0x400]  }
0x40: {  	v5 =	vld [tilespmem:s30+$0x410]  }
0x41: {  	v2 =	vld [tilespmem:s30+$0x420]  }
0x42: {  	v0 =	vld [tilespmem:s30+$0x430]  }
0x43: {  	v1 =	vld [tilespmem:s30+$0x440];
	[tilespmem:s30+$0x8470] =	vst v3  }
0x44: {  	[tilespmem:s30+$0x8400] =	vst v4;
	v3 =	vld [tilespmem:s30+$0x450]  }
0x45: {  	s31 =	simm.s32 $0x80;
	s0 =	simm.s32 $0x400;
	[tilespmem:s30+$0x8410] =	vst v5;
	v4 =	vld [tilespmem:s30+$0x460]  }
.LBB2_3:
0x46: {  	p0 =	sne.s32 s0, $0x1FE00;
	v5 =	vld [tilespmem:s31+$0x470];
	[tilespmem:s30+$0x8420] =	vst v2  }
0x47: {  	v6 =	vld [tilespmem:s31+$0x400];
	[tilespmem:s30+$0x8430] =	vst v0  }
0x48: {  	v7 =	vld [tilespmem:s31+$0x410];
	[tilespmem:s30+$0x8440] =	vst v1  }
.Ltmp0:
0x49: {  	v2 =	vld [tilespmem:s31+$0x420];
	[tilespmem:s30+$0x8450] =	vst v3;
	(pc) =	sbr.rel @p0 .LBB2_3-.Ltmp0, $4  }
0x4a: {  	v0 =	vld [tilespmem:s31+$0x430];
	[tilespmem:s30+$0x8460] =	vst v4;
	s30 =	smov.u32 s31  }
0x4b: {  	v1 =	vld [tilespmem:s30+$0x440];
	[tilespmem:s30+$0x8470] =	vst v5  }
0x4c: {  	[tilespmem:s30+$0x8400] =	vst v6;
	v3 =	vld [tilespmem:s30+$0x450]  }
0x4d: {  	s31 =	sshra.s32 s0, $0x2;
	s0 =	sadd.s32 $0x200, s0;
	[tilespmem:s30+$0x8410] =	vst v7;
	v4 =	vld [tilespmem:s30+$0x460]  }
0x4e: {  	v5 =	vld [tilespmem:s31+$0x470];
	[tilespmem:s30+$0x8420] =	vst v2  }
0x4f: {  	v2 =	vld [tilespmem:s31+$0x400];
	[tilespmem:s30+$0x8430] =	vst v0  }
0x50: {  	v0 =	vld [tilespmem:s31+$0x410];
	[tilespmem:s30+$0x8440] =	vst v1  }
0x51: {  	v1 =	vld [tilespmem:s31+$0x420];
	[tilespmem:s30+$0x8450] =	vst v3  }
0x52: {  	v3 =	vld [tilespmem:s31+$0x430];
	[tilespmem:s30+$0x8460] =	vst v4  }
0x53: {  	v4 =	vld [tilespmem:s31+$0x440];
	[tilespmem:s31+$0x8470] =	vst v5  }
0x54: {  	v62 =	vld [tilespmem:s31+$0x450];
	[tilespmem:s31+$0x8400] =	vst v2  }
0x55: {  	v63 =	vld [tilespmem:s31+$0x460];
	[tilespmem:s31+$0x8410] =	vst v0  }
0x56: {  	[tilespmem:s31+$0x8420] =	vst v1  }
0x57: {  	[tilespmem:s31+$0x8430] =	vst v3  }
0x58: {  	s28 =	sadd.s32 $0x1, s28;
	[tilespmem:s31+$0x8440] =	vst v4  }
0x59: {  	s0 =	sshll.u32 s29, $0x2;
	p0 =	sne.s32 s28, $0x19;
	[tilespmem:s31+$0x8450] =	vst v62  }
.Ltmp1:
0x5a: {  	s0 =	sadd.s32 s5, s0;
	[tilespmem:s31+$0x8460] =	vst v63;
	(pc) =	sbr.rel @p0 .LBB2_2-.Ltmp1, $4  }
0x5b: {  	[hbm4b:s0+s2] =	stream.linear.scatter [tilespmem:s25], [sflag:$0x2], $0x8000, $0x38;
	[tilespmem:$0x10400] =	vst v63  }
0x5c: {  	_ =	swait.ge [sflag:s8], $0x8000  }
0x5d: {  	[sflag:s8] =	ssyncset.done $0x0  }
0x5e: {  	[sflag:s8] =	ssyncadd.s32 $0xFFFF8000  }
0x5f: {  	s26 =	sadd.s32 $0x1, s26  }
0x60: {  	p0 =	sne.s32 s26, s7  }
.Ltmp2:
0x61: {  	_ = 	snop;
	(pc) =	sbr.rel @p0 .LBB2_1-.Ltmp2, $1  }
0x62: {  	_ =	sdelay $0x3  }
0x63: {  	_ =	sfence.sel $0x180000  }
0x64: {  	[bflag:$0x0] =	sbarrier.arrive $0xFFFF  }
0x65: {  	_ =	strace $0x90000047  }
0x66: {  	[bflag:$0x2] =	sbarrier.arrive $0xFFFF  }
0x67: {  	p0 =	sne.s32 s3, $0x0;
	s0 =	rddreg [dreg:$0x2]  }
0x68: {  	s0 =	sadd.s32 @!p0 $0x100000, s0  }
0x69: {  	[sflag:s0] =	ssyncadd.tile.s32 @!p0 $0x1;
	_ =	shalt  }
.Lfunc_end2:
_tile_overlayer_lowered:
.L_overlay_start_2:
0x6a: {  	(tag) =	ssettag $0x2  }
0x6b: {  	s0 =	rddreg [dreg:$0x0];
	s2 =	stileid.u32  }
0x6c: {  	s1 =	rddreg [dreg:$0x1];
	p0 =	sne.s32 s2, $0x0  }
0x6d: {  	s3 =	rddreg [dreg:$0x2];
	[bflag:$0x3] =	sbarrier.arrive $0xFFFF;
	s2 =	simm.s32 @!p0 $0x1C02  }
0x6e: {  	[timem:s3], [sflag:s2] =	dma.local @!p0 [hbm:s0], s1  }
0x6f: {  	s0 =	simm.s32 @!p0 $0x2  }
0x70: {  	_ =	swait.ge @!p0 [sflag:s0], s1  }
0x71: {  	s1 =	ssub.s32 @!p0 $0x0, s1;
	[sflag:s0] =	ssyncset.done @!p0 $0x0  }
0x72: {  	[sflag:s0] =	ssyncadd.s32 @!p0 s1  }
0x73: {  	[bflag:$0x3] =	sbarrier.arrive $0xFFFF  }
0x74: {  	_ =	shalt  }

// kernel: sparse-core-data-format-call.cloned.1.call-start
scs
called_computation_lowered:
.L_overlay_start_0:
0x0: {  	s2 =	sld [smem:$0x3FD9]  }
0x1: {  	s3 =	sld [smem:$0x3FFE];
	_ =	sdelay $0x1  }
0x2: {  	s1 =	srdreg.scid  }
0x3: {  	s0 =	sand.u32 $0x1, s1  }
0x4: {  	s18 =	sshll.u32 s0, $0xA;
	s2 =	sadd.s32 s3, s2  }
0x5: {  	s2 =	sadd.s32 s2, s18  }
0x6: {  	[smem:$0x3FC4] =	sst s2  }
0x7: {  	_ = 	snop  }
0x8: {  	s2 =	sld [smem:$0x3FD0];
	(tm) =	ssettm $0x1  }
0x9: {  	s19 =	sld [smem:$0x3FFB];
	_ =	sdelay $0x3  }
0xa: {  	_ =	strace s19  }
0xb: {  	s3 =	sld [smem:$0x3FFC];
	_ =	sdelay $0x3  }
0xc: {  	_ =	strace s3  }
0xd: {  	s3 =	sld [smem:$0x3FFD];
	_ =	sdelay $0x3  }
0xe: {  	_ =	strace s3  }
0xf: {  	_ =	strace $0x8FFFFFFF  }
0x10: {  	s20 =	sld [smem:$0x3FDB];
	_ =	sdelay $0x1  }
0x11: {  	s4 =	simm.s32 $_scs_section_size  }
0x12: {  	s5 =	simm.s32 $_size__tile_overlayer_lowered;
	s6 =	simm.s32 $_tile_overlayer_lowered  }
0x13: {  	s23 =	simm.s32 $0x1BFF;
	s22 =	sshll.u32 s6, $0x1;
	s3 =	sadd.s32 s4, s20  }
0x14: {  	s7 =	simm.s32 $0x0;
	s21 =	sshll.u32 s5, $0x1;
	s5 =	sadd.s32 s22, s3  }
0x15: {  	[timem:s7], [sflag:s23] =	dma.local [hbm:s5], s21  }
0x16: {  	_ =	swait.ge [sflag:s23], s21  }
0x17: {  	s4 =	ssub.s32 $0x0, s21;
	[sflag:s23] =	ssyncset.done $0x0  }
0x18: {  	[sflag:s23] =	ssyncadd.s32 s4;
	_ =	sdelay $0x1  }
0x19: {  	s24 =	simm.s32 $0x1B8B  }
0x1a: {  	_ =	swait.ge [sflag:s24], $0x1  }
0x1b: {  	[sflag:s24] =	ssyncset.done $0x0  }
0x1c: {  	s26 =	simm.s32 $0x1B8E;
	s25 =	sld [smem:$0x3FFE];
	[sflag:s24] =	ssyncadd.s32 $0xFFFFFFFF  }
0x1d: {  	s27 =	simm.s32 $execute0_lowered;
	[smem:$0x3FD2] =	sst s26  }
0x1e: {  	s5 =	sshll.u32 s27, $0x1;
	_ =	strace $0x80000049;
	[dreg:$0x1] =	wrdreg $0xFFFFFFFF  }
0x1f: {  	s28 =	simm.s32 $_size_execute0_lowered;
	s3 =	sadd.s32 s3, s5;
	[dreg:$0x0] =	wrdreg $0x0  }
0x20: {  	s5 =	sshll.u32 s28, $0x1;
	[dreg:$0x2] =	wrdreg s3  }
0x21: {  	[dreg:$0x3] =	wrdreg s5  }
0x22: {  	[dreg:$0x4] =	wrdreg $0xC0  }
0x23: {  	_ =	task [dreg:s7], $0x5FFFF  }
0x24: {  	[dreg:$0x1] =	wrdreg $0xFFFFFFFF  }
0x25: {  	[dreg:$0x0] =	wrdreg $0x60  }
0x26: {  	[dreg:$0x2] =	wrdreg s25  }
0x27: {  	[dreg:$0x3] =	wrdreg s2  }
0x28: {  	[dreg:$0x4] =	wrdreg $0x9  }
0x29: {  	_ =	task.clear_ibuf [dreg:s7], $0x5FFFF;
	_ =	strace $0x90000049  }
0x2a: {  	s29 =	simm.s32 $0x9;
	_ =	strace $0x8000004B  }
0x2b: {  	_ =	swait.ge [sflag:s29], $0x1  }
0x2c: {  	[sflag:s29] =	ssyncadd.s32 $0xFFFFFFFF  }
0x2d: {  	_ =	strace $0x9000004B  }
0x2e: {  	_ =	sfence  }
0x2f: {  	s30 =	sld [smem:$0x0];
	_ =	sdelay $0x2  }
0x30: {  	s31 =	sshll.u32 s1, $0xD;
	s1 =	sshrl.u32 s1, $0x2  }
0x31: {  	s3 =	sand.u32 $0x4000, s31;
	s1 =	sadd.s32 s1, s30  }
0x32: {  	s0 =	sor.u32 s3, s0;
	s1 =	sshll.u32 s1, $0x11  }
0x33: {  	s0 =	sor.u32 s1, s0  }
0x34: {  	s0 =	sadd.s32 $0x8F2B, s0  }
0x35: {  	[sflag:s0] =	ssyncadd.remote.s32 $0x1  }
0x36: {  	_ =	sfence.sel $0xFFFF  }
0x37: {  	[dreg:$0x0] =	wrdreg $0xFFFFFFFF;
	(pc) =	sbr.abs _section_cstart, $3  }
0x38: {  	[dreg:$0x1] =	wrdreg $0xFFFFFFFF  }
0x39: {  	_ =	task.clear_ibuf [dreg:s7], $0x2FFFF;
	_ =	strace $0x9FFFFFFF  }
0x3a: {  	(tm) =	ssettm $0x7FFFFFFF  }
0x3b: {  	_ =	shalt  }
tec
execute0_lowered:
.L_overlay_start_1:
0x0: {  	(tag) =	ssettag $0x1  }
0x1: {  	s0 =	srdreg.scid  }
0x2: {  	s1 =	sshll.u32 s0, $0x4  }
0x3: {  	s0 =	stileid.u32;
	s1 =	sand.u32 $0x10, s1  }
0x4: {  	s1 =	sor.u32 s0, s1  }
0x5: {  	s6 =	rddreg [dreg:$0x0];
	s4 =	simm.s32 $0x1;
	s2 =	sshll.u32 s1, $0x7  }
0x6: {  	s7 =	simm.s32 $0x2;
	s12 =	simm.s32 $0x0;
	s1 =	ssub.s32 $0x4000, s2  }
0x7: {  	s8 =	simm.s32 $0x20000;
	s13 =	simm.s32 $0x0;
	s3 =	sand.u32 $0xF80, s1  }
0x8: {  	s9 =	simm.s32 $0x0;
	s5 =	sshrl.u32 s1, $0xC;
	p0 =	sne.s32 s3, $0x0  }
.Ltmp0:
0x9: {  	s1 =	rddreg [dreg:$0x2];
	s4 =	simm.s32 @!p0 $0x0;
	(pc) =	sbr.rel .LBB1_1-.Ltmp0, $4  }
0xa: {  	s11 =	simm.s32 $0x0;
	s3 =	rddreg [dreg:$0x1];
	s5 =	sadd.s32 s4, s5  }
0xb: {  	_ =	strace $0x8000004A;
	s4 =	simm.s32 $0x1;
	s5 =	smul.u32 $0x32, s5  }
0xc: {  	s6 =	sadd.s32 $0xC00, s6;
	s10 =	smov.u32 s2;
	[sflag:s4] =	ssyncpa.u1 $0x0  }
0xd: {  	p0 =	por $0x0, $0x0;
	[sflag:s7] =	ssyncpa.u1 $0x0;
	s7 =	sor.u32 $0x1, s5  }
.LBB1_4:
0xe: {  	s16 =	sshll.u32 s13, $0x3;
	s17 =	sand.u32 $0x78, s13  }
0xf: {  	s30 =	sand.u32 $0x1F800, s13;
	s12 =	sshll.u32 s12, $0x11;
	s16 =	sand.u32 $0x3C00, s16  }
0x10: {  	[tilespmem:s15+$0x810 ss:$0x81] =	vst.msk $0xffff, v2;
	s31 =	sand.u32 $0x7, s13;
	s16 =	sor.u32 s17, s16;
	s17 =	sadd.s32 s3, s30  }
0x11: {  	[tilespmem:s15+$0x1020 ss:$0x81] =	vst.msk $0xffff, v0;
	s13 =	sshll.u32 s31, $0x12;
	s12 =	sadd.s32 s12, s17;
	s16 =	sshrl.u32 s16, $0x3  }
0x12: {  	[tilespmem:s15+$0x0 ss:$0x81] =	vst.msk $0xffff, v1;
	s13 =	sor.u32 $0x400, s13;
	s12 =	sadd.s32 s16, s12  }
0x13: {  	[hbm4b:s12+s13] =	stream.strided.scatter [tilespmem:s14], [sflag:$0x2], $0x2000, s8, s13, $0x20;
	[tilespmem:$0x8080] =	vst v63  }
.LBB1_5:
0x14: {  	s14 =	sadd.s32 $0x1, s9  }
0x15: {  	s12 =	sadd.s32 $0x1000, s10;
	s16 =	smov.u32 s10;
	p2 =	sgt.s32 s14, $0x31  }
0x16: {  	s16 =	smov.u32 @p2 s12  }
0x17: {  	s14 =	simm.s32 @p2 $0x0;
	p2 =	sgt.s32 s16, $0x3FFF  }
0x18: {  	s16 =	smov.u32 @p2 s2;
	p2 =	sne.s32 s11, s7  }
.Ltmp1:
0x19: {  	p1 =	slt.u32 s11, $0x2;
	(pc) =	sbr.rel @!p2 .LBB1_6-.Ltmp1, $4  }
0x1a: {  	s15 =	simm.s32 @!p1 $0x2  }
0x1b: {  	s13 =	smov.u32 s10;
	p0 =	por !p0, !p0;
	_ =	swait.ge @!p1 [sflag:s15], $0x2000  }
0x1c: {  	s12 =	smov.u32 s9;
	[sflag:s15] =	ssyncset.done @!p1 $0x0;
	s9 =	smov.u32 s14  }
0x1d: {  	s11 =	sadd.s32 $0x1, s11;
	[sflag:s15] =	ssyncadd.s32 @!p1 $0xFFFFE000;
	s10 =	smov.u32 s16  }
.LBB1_1:
0x1e: {  	p1 =	sge.u32 s11, s5  }
0x1f: {  	s14 =	sand.u32 @!p1 $0x1FFFFFF, s9  }
0x20: {  	s15 =	smulhi.u32 @!p1 $0x4924925, s14;
	_ =	sdelay $0x1  }
0x21: {  	s15 =	smul.u32 @!p1 $0x38, s15  }
0x22: {  	s16 =	sxor.u32 @!p1 $0xFFFFFFFF, s11;
	s17 =	smul.u32 @!p1 $0x380, s10  }
0x23: {  	s31 =	sadd.s32 $0xFFFFFFFF, s11;
	s16 =	sshll.u32 @!p1 s16, $0xD;
	s14 =	ssub.s32 @!p1 s14, s15  }
0x24: {  	s15 =	sand.u32 @!p1 $0x2000, s16;
	s16 =	sadd.s32 @!p1 s6, s17;
	s14 =	sshll.u32 @!p1 s14, $0x4  }
0x25: {  	s17 =	simm.s32 @!p1 $0x1C00;
	s14 =	sadd.s32 @!p1 s14, s16;
	s16 =	simm.s32 @!p1 $0x40  }
0x26: {  	[tilespmem:s15], [sflag:$0x1] =	stream.strided.gather @!p1 [hbm4b:s14+s16], $0x2000, s17, s16, $0x38;
	[tilespmem:$0x8080] =	vst v63  }
0x27: {  	p1 =	sge.u32 s31, s5  }
.Ltmp2:
0x28: {  	_ = 	snop;
	(pc) =	sbr.rel @p1 .LBB1_5-.Ltmp2, $1  }
0x29: {  	_ =	sdelay $0x3  }
0x2a: {  	s14 =	simm.s32 $0x1  }
0x2b: {  	_ =	swait.ge [sflag:s4], $0x2000;
	s14 =	simm.s32 @!p0 $0x0  }
0x2c: {  	[sflag:s4] =	ssyncset.done $0x0;
	s15 =	sshll.u32 s14, $0xD  }
0x2d: {  	[sflag:s4] =	ssyncadd.s32 $0xFFFFE000;
	s18 =	sor.u32 $0x20, s15  }
0x2e: {  	s14 =	smul.u32 $0x8100, s14;
	v3 =	vld [tilespmem:s18+$0x10]  }
0x2f: {  	s30 =	sand.u32 $0x1, s11;
	v2 =	vld [tilespmem:s18+$0xFFFFFFF0]  }
0x30: {  	s15 =	smul.u32 $0x8100, s30;
	s14 =	sshrl.u32 s14, $0x2;
	v0 =	vld [tilespmem:s18+$0x0]  }
0x31: {  	v1 =	vld [tilespmem:s18+$0xFFFFFFE0];
	s16 =	sor.u32 $0x4000, s14  }
0x32: {  	s31 =	sshrl.u32 s15, $0x2;
	s15 =	sadd.s32 $0x0, s16  }
0x33: {  	s17 =	simm.s32 $0x4;
	s18 =	sadd.s32 $0x40, s18;
	s14 =	sor.u32 $0x4000, s31;
	[tilespmem:s15+$0x1830 ss:$0x81] =	vst.msk $0xffff, v3  }
.LBB1_3:
0x34: {  	v3 =	vld [tilespmem:s18+$0x10];
	p1 =	sne.s32 s17, $0x1FC;
	[tilespmem:s15+$0x810 ss:$0x81] =	vst.msk $0xffff, v2;
	s19 =	smov.u32 s17;
	s17 =	sadd.s32 $0x4, s17  }
.Ltmp3:
0x35: {  	v2 =	vld [tilespmem:s18+$0xFFFFFFF0];
	[tilespmem:s15+$0x1020 ss:$0x81] =	vst.msk $0xffff, v0;
	(pc) =	sbr.rel @p1 .LBB1_3-.Ltmp3, $4  }
0x36: {  	v0 =	vld [tilespmem:s18+$0x0];
	[tilespmem:s15+$0x0 ss:$0x81] =	vst.msk $0xffff, v1  }
0x37: {  	s15 =	sshra.s32 s19, $0x2;
	v1 =	vld [tilespmem:s18+$0xFFFFFFE0]  }
0x38: {  	s15 =	sadd.s32 s15, s16  }
0x39: {  	s18 =	sadd.s32 $0x40, s18;
	[tilespmem:s15+$0x1830 ss:$0x81] =	vst.msk $0xffff, v3  }
.Ltmp4:
0x3a: {  	_ = 	snop;
	(pc) =	sbr.rel .LBB1_4-.Ltmp4, $1  }
0x3b: {  	_ =	sdelay $0x3  }
.LBB1_6:
0x3c: {  	_ =	sfence.sel $0x180000  }
0x3d: {  	s2 =	simm.s32 $0x1;
	[bflag:$0x0] =	sbarrier.arrive $0xFFFF  }
0x3e: {  	s31 =	simm.s32 $0x2;
	[sflag:s2] =	ssyncpa.u1 $0x1  }
0x3f: {  	[sflag:s31] =	ssyncpa.u1 $0x1  }
0x40: {  	p0 =	sne.s32 s0, $0x0;
	_ =	strace $0x9000004A  }
0x41: {  	s0 =	sadd.s32 @!p0 $0x100000, s1;
	[bflag:$0x2] =	sbarrier.arrive $0xFFFF  }
0x42: {  	[sflag:s0] =	ssyncadd.tile.s32 @!p0 $0x1;
	_ =	shalt  }
.Lfunc_end1:
_tile_overlayer_lowered:
.L_overlay_start_2:
0x43: {  	(tag) =	ssettag $0x2  }
0x44: {  	s0 =	rddreg [dreg:$0x0];
	s2 =	stileid.u32  }
0x45: {  	s1 =	rddreg [dreg:$0x1];
	p0 =	sne.s32 s2, $0x0  }
0x46: {  	s3 =	rddreg [dreg:$0x2];
	[bflag:$0x3] =	sbarrier.arrive $0xFFFF;
	s2 =	simm.s32 @!p0 $0x1C01  }
0x47: {  	[timem:s3], [sflag:s2] =	dma.local @!p0 [hbm:s0], s1  }
0x48: {  	s0 =	simm.s32 @!p0 $0x1  }
0x49: {  	_ =	swait.ge @!p0 [sflag:s0], s1  }
0x4a: {  	s1 =	ssub.s32 @!p0 $0x0, s1;
	[sflag:s0] =	ssyncset.done @!p0 $0x0  }
0x4b: {  	[sflag:s0] =	ssyncadd.s32 @!p0 s1  }
0x4c: {  	[bflag:$0x3] =	sbarrier.arrive $0xFFFF  }
0x4d: {  	_ =	shalt  }

</sc_bundles>
